<compile_context>
chip_gen: v7x
topology: tpu7x:2x2x1
jax: 0.10.2.dev20260603
libtpu: 0.0.44.dev20260713+nightly
codegen_flags: <defaults>
</compile_context>

<pallas_src>
import functools

import jax
import jax.numpy as jnp
from jax import lax
from jax.experimental import pallas as pl
from jax.experimental.pallas import tpu as pltpu
from jax.experimental.pallas import tpu_sc as plsc

NC = 2
NS = 16
LANES = 16
WIN = 50
NBUF = 8


def _sc_sum_pool(table, ids2, B, SEQ, D):
    NW = NC * NS
    RPW = B // NW
    WPR = SEQ // WIN
    NWIN = RPW * WPR
    assert NWIN % NBUF == 0 and NBUF % WPR == 0
    mesh = plsc.VectorSubcoreMesh(core_axis_name="c", subcore_axis_name="s")
    CG = D // LANES

    @functools.partial(
        pl.kernel,
        out_type=jax.ShapeDtypeStruct((B, D), jnp.float32),
        mesh=mesh,
        scratch_types=[
            pltpu.VMEM((NWIN, WIN), jnp.int32),
        ] + [pltpu.VMEM((WIN, D), jnp.float32) for _ in range(NBUF)] + [
            pltpu.VMEM((2, D), jnp.float32),
        ] + [pltpu.SemaphoreType.DMA for _ in range(NBUF + 2)],
    )
    def sc_kernel(table_hbm, ids_hbm, out_hbm, ids_v, *rest):
        bufs = rest[:NBUF]
        out_stage = rest[NBUF]
        sems = rest[NBUF + 1:NBUF + 1 + NBUF]
        osems = rest[NBUF + 1 + NBUF:]
        wid = lax.axis_index("s") * NC + lax.axis_index("c")
        base = wid * NWIN
        pltpu.sync_copy(ids_hbm.at[pl.ds(base, NWIN)], ids_v)

        def issue(b, w):
            pltpu.async_copy(table_hbm.at[ids_v.at[w]], bufs[b], sems[b])

        def wait(b, w):
            pltpu.make_async_copy(table_hbm.at[ids_v.at[w]], bufs[b], sems[b]).wait()

        def accumulate(buf, accs):
            @plsc.parallel_loop(0, WIN, unroll=2, carry=accs)
            def body(j, a):
                return tuple(
                    a[c] + buf[j, pl.ds(c * LANES, LANES)] for c in range(CG)
                )

            return body

        for b in range(NBUF - 1):
            issue(b, b)

        zeros = (jnp.zeros((LANES,), jnp.float32),) * CG

        @pl.loop(0, NWIN, step=NBUF)
        def _(w0):
            accs = zeros
            for b in range(NBUF):
                w = w0 + b

                @pl.when(w + NBUF - 1 < NWIN)
                def _():
                    issue((b + NBUF - 1) % NBUF, w + NBUF - 1)

                wait(b, w)
                accs = accumulate(bufs[b], accs)
                if b % WPR == WPR - 1:
                    r = (w0 + b) // WPR
                    p = ((b + 1) // WPR - 1) % 2

                    @pl.when(r >= 2)
                    def _():
                        pltpu.make_async_copy(
                            out_stage.at[pl.ds(p, 1)],
                            out_hbm.at[pl.ds(wid * RPW + r - 2, 1)],
                            osems[p],
                        ).wait()

                    for c in range(CG):
                        out_stage[p, pl.ds(c * LANES, LANES)] = accs[c]
                    pltpu.async_copy(
                        out_stage.at[pl.ds(p, 1)],
                        out_hbm.at[pl.ds(wid * RPW + r, 1)],
                        osems[p],
                    )
                    accs = zeros

        for p, r in ((0, RPW - 2), (1, RPW - 1)):
            pltpu.make_async_copy(
                out_stage.at[pl.ds(p, 1)],
                out_hbm.at[pl.ds(wid * RPW + r, 1)],
                osems[p],
            ).wait()

    return sc_kernel(table, ids2)


def _tc_finish(ids, sums, Wt, b2, B, SEQ, D):

    def tc_body(ids_ref, sums_ref, wt_ref, b_ref, out_ref):
        idv = ids_ref[...]
        cnt = jnp.sum((idv != 0).astype(jnp.float32), axis=1, keepdims=True)
        pooled = sums_ref[...] / jnp.maximum(cnt, 1.0)
        h = jnp.maximum(pooled, 0.0)
        h = lax.dot_general(h, wt_ref[...], (((1,), (1,)), ((), ())),
                            preferred_element_type=jnp.float32)
        h = h + b_ref[...]
        nrm = jnp.maximum(jnp.sqrt(jnp.sum(h * h, axis=1, keepdims=True)), 1e-12)
        out_ref[...] = h / nrm

    return pl.pallas_call(
        tc_body,
        out_shape=jax.ShapeDtypeStruct((B, D), jnp.float32),
    )(ids, sums, Wt, b2)


def kernel(ids, table, W, b):
    B, SEQ = ids.shape
    V, D = table.shape
    CH = 1
    Bc = B // CH
    Wt = W
    b2 = b.reshape(1, D)
    zs = []
    for i in range(CH):
        idc = lax.slice(ids, (i * Bc, 0), ((i + 1) * Bc, SEQ))
        ids2 = idc.reshape(Bc * (SEQ // WIN), WIN)
        sums = _sc_sum_pool(table, ids2, Bc, SEQ, D)
        zs.append(_tc_finish(idc, sums, Wt, b2, Bc, SEQ, D))
    return jnp.concatenate(zs, axis=0)

# --- scband reference (transcript-rebuilt; emitter-appended) ---
"""Pipeline reference for scband-encoder-88648124990228 (READ-ONLY COPY).

The authoritative reference and input builder live on the scoring server;
editing this copy changes nothing except your own understanding.
"""

import jax, jax.numpy as jnp
import numpy as np

VOCAB = 1000000
DIM = 128
PAD_ID = 0


def setup_inputs(seed: int = 0) -> dict:
    key = jax.random.key(seed)
    k1, k2, k3, k4 = jax.random.split(key, 4)
    ids = jax.random.randint(k1, (4096, 200), 0, VOCAB, dtype=jnp.int32)
    table = jax.random.normal(k2, (VOCAB, DIM), dtype=jnp.float32)
    table = table.at[PAD_ID].set(0.0)  # nn.Embedding padding_idx row is zero
    W = jax.random.normal(k3, (DIM, DIM), dtype=jnp.float32) * (1.0 / np.sqrt(DIM))
    b = jax.random.normal(k4, (DIM,), dtype=jnp.float32) * 0.01
    return {"ids": ids, "table": table, "W": W, "b": b}


def reference(ids, table, W, b):
    # emb = self.embed(ids)
    emb = jnp.take(table, ids, axis=0)  # [B, L, D] gather
    # mask = (ids != PAD_ID).unsqueeze(-1)
    mask = (ids != PAD_ID)[..., None].astype(emb.dtype)  # [B, L, 1]
    # pooled = (emb * mask).sum(1) / mask.sum(1).clamp(min=1)
    denom = jnp.clip(jnp.sum(mask, axis=1), 1.0, None)  # [B, 1]
    pooled = jnp.sum(emb * mask, axis=1) / denom  # [B, D]
    # z = F.normalize(self.linear(relu(pooled)), dim=-1)
    h = jax.nn.relu(pooled) @ W.T + b  # [B, D]
    norm = jnp.maximum(jnp.linalg.norm(h, axis=-1, keepdims=True), 1e-12)
    z = h / norm
    return z

if __name__ == "__main__":
    import jax
    _d = setup_inputs()
    print(jax.jit(kernel)(*tuple(_d.values())))

</pallas_src>

<mosaic_0001>
#map = affine_map<(d0, d1) -> (0, 0)>
module attributes {stable_mosaic.version = 14 : i64} {
  func.func @sc_kernel(%arg0: i32, %arg1: i32, %arg2: memref<1000000x128xf32, #tpu.memory_space<hbm>>, %arg3: memref<16384x50xi32, #tpu.memory_space<hbm>>, %arg4: memref<4096x128xf32, #tpu.memory_space<hbm>>, %arg5: memref<512x50xi32, #tpu.memory_space<vmem>>, %arg6: memref<50x128xf32, #tpu.memory_space<vmem>>, %arg7: memref<50x128xf32, #tpu.memory_space<vmem>>, %arg8: memref<50x128xf32, #tpu.memory_space<vmem>>, %arg9: memref<50x128xf32, #tpu.memory_space<vmem>>, %arg10: memref<50x128xf32, #tpu.memory_space<vmem>>, %arg11: memref<50x128xf32, #tpu.memory_space<vmem>>, %arg12: memref<50x128xf32, #tpu.memory_space<vmem>>, %arg13: memref<50x128xf32, #tpu.memory_space<vmem>>, %arg14: memref<2x128xf32, #tpu.memory_space<vmem>>, %arg15: memref<!tpu.dma_semaphore, #tpu.memory_space<semaphore_mem>>, %arg16: memref<!tpu.dma_semaphore, #tpu.memory_space<semaphore_mem>>, %arg17: memref<!tpu.dma_semaphore, #tpu.memory_space<semaphore_mem>>, %arg18: memref<!tpu.dma_semaphore, #tpu.memory_space<semaphore_mem>>, %arg19: memref<!tpu.dma_semaphore, #tpu.memory_space<semaphore_mem>>, %arg20: memref<!tpu.dma_semaphore, #tpu.memory_space<semaphore_mem>>, %arg21: memref<!tpu.dma_semaphore, #tpu.memory_space<semaphore_mem>>, %arg22: memref<!tpu.dma_semaphore, #tpu.memory_space<semaphore_mem>>, %arg23: memref<!tpu.dma_semaphore, #tpu.memory_space<semaphore_mem>>, %arg24: memref<!tpu.dma_semaphore, #tpu.memory_space<semaphore_mem>>) attributes {dimension_semantics = [#tpu.dimension_semantics<core_parallel>, #tpu.dimension_semantics<subcore_parallel>], iteration_bounds = array<i64: 2, 16>, scalar_prefetch = 0 : i64, scratch_operands = 20 : i64, tpu.core_type = #tpu.core_type<sc_vector_subcore>, window_params = [{transform_indices = #map}, {transform_indices = #map}, {transform_indices = #map}]} {
    %mul3A = arith.constant 2 : i32
    %mul3A_0 = arith.muli %arg1, %mul3A : i32
    %add3A = arith.addi %mul3A_0, %arg0 : i32
    %mul3A_1 = arith.constant 512 : i32
    %mul3A_2 = arith.muli %add3A, %mul3A_1 : i32
    "tpu.region"() ({
      %run_scoped3A = tpu.sem_alloc : memref<!tpu.dma_semaphore, #tpu.memory_space<semaphore_mem>>
      %dma_start3A_83 = arith.constant 0 : i32
      %dma_start3A_84 = tpu.memref_slice %arg3[%mul3A_2, %dma_start3A_83] : memref<16384x50xi32, #tpu.memory_space<hbm>> -> memref<512x50xi32, #tpu.memory_space<hbm>>
      %dma_start3A_85 = arith.constant 0 : i32
      %dma_start3A_86 = tpu.memref_slice %arg3[%mul3A_2, %dma_start3A_85] : memref<16384x50xi32, #tpu.memory_space<hbm>> -> memref<512x50xi32, #tpu.memory_space<hbm>>
      tpu.enqueue_dma source(%dma_start3A_86 : memref<512x50xi32, #tpu.memory_space<hbm>>) target(%arg5 : memref<512x50xi32, #tpu.memory_space<vmem>>) target_semaphore(%run_scoped3A : memref<!tpu.dma_semaphore, #tpu.memory_space<semaphore_mem>>)
      %dma_wait3A_87 = arith.constant 0 : i32
      %dma_wait3A_88 = tpu.memref_slice %arg3[%mul3A_2, %dma_wait3A_87] : memref<16384x50xi32, #tpu.memory_space<hbm>> -> memref<512x50xi32, #tpu.memory_space<hbm>>
      %dma_wait3A_89 = arith.constant 0 : i32
      %dma_wait3A_90 = tpu.memref_slice %arg3[%mul3A_2, %dma_wait3A_89] : memref<16384x50xi32, #tpu.memory_space<hbm>> -> memref<512x50xi32, #tpu.memory_space<hbm>>
      tpu.wait_dma2 semaphore(%run_scoped3A : memref<!tpu.dma_semaphore, #tpu.memory_space<semaphore_mem>>) src(%dma_wait3A_90 : memref<512x50xi32, #tpu.memory_space<hbm>>) dst(%arg5 : memref<512x50xi32, #tpu.memory_space<vmem>>)
      tpu.yield
    }) : () -> ()
    %dma_start3A = arith.constant 0 : i32
    %dma_start3A_3 = arith.constant 0 : i32
    %dma_start3A_4 = tpu.memref_slice %arg5[%dma_start3A, %dma_start3A_3] : memref<512x50xi32, #tpu.memory_space<vmem>> -> memref<1x50xi32, #tpu.memory_space<vmem>>
    %dma_start3A_5 = tpu.memref_squeeze %dma_start3A_4 : memref<1x50xi32, #tpu.memory_space<vmem>> -> memref<50xi32, #tpu.memory_space<vmem>>
    %dma_start3A_6 = arith.constant 0 : i32
    %dma_start3A_7 = arith.constant 0 : i32
    %dma_start3A_8 = tpu.memref_slice %arg2[%dma_start3A_6, %dma_start3A_7] : memref<1000000x128xf32, #tpu.memory_space<hbm>> -> memref<1000000x128xf32, #tpu.memory_space<hbm>>
    tpu.enqueue_indirect_dma source(%dma_start3A_8 : memref<1000000x128xf32, #tpu.memory_space<hbm>>) target(%arg6 : memref<50x128xf32, #tpu.memory_space<vmem>>) offsets(%dma_start3A_5 : memref<50xi32, #tpu.memory_space<vmem>>) semaphore(%arg15 : memref<!tpu.dma_semaphore, #tpu.memory_space<semaphore_mem>>)
    %dma_start3A_9 = arith.constant 1 : i32
    %dma_start3A_10 = arith.constant 0 : i32
    %dma_start3A_11 = tpu.memref_slice %arg5[%dma_start3A_9, %dma_start3A_10] : memref<512x50xi32, #tpu.memory_space<vmem>> -> memref<1x50xi32, #tpu.memory_space<vmem>>
    %dma_start3A_12 = tpu.memref_squeeze %dma_start3A_11 : memref<1x50xi32, #tpu.memory_space<vmem>> -> memref<50xi32, #tpu.memory_space<vmem>>
    %dma_start3A_13 = arith.constant 0 : i32
    %dma_start3A_14 = arith.constant 0 : i32
    %dma_start3A_15 = tpu.memref_slice %arg2[%dma_start3A_13, %dma_start3A_14] : memref<1000000x128xf32, #tpu.memory_space<hbm>> -> memref<1000000x128xf32, #tpu.memory_space<hbm>>
    tpu.enqueue_indirect_dma source(%dma_start3A_15 : memref<1000000x128xf32, #tpu.memory_space<hbm>>) target(%arg7 : memref<50x128xf32, #tpu.memory_space<vmem>>) offsets(%dma_start3A_12 : memref<50xi32, #tpu.memory_space<vmem>>) semaphore(%arg16 : memref<!tpu.dma_semaphore, #tpu.memory_space<semaphore_mem>>)
    %dma_start3A_16 = arith.constant 2 : i32
    %dma_start3A_17 = arith.constant 0 : i32
    %dma_start3A_18 = tpu.memref_slice %arg5[%dma_start3A_16, %dma_start3A_17] : memref<512x50xi32, #tpu.memory_space<vmem>> -> memref<1x50xi32, #tpu.memory_space<vmem>>
    %dma_start3A_19 = tpu.memref_squeeze %dma_start3A_18 : memref<1x50xi32, #tpu.memory_space<vmem>> -> memref<50xi32, #tpu.memory_space<vmem>>
    %dma_start3A_20 = arith.constant 0 : i32
    %dma_start3A_21 = arith.constant 0 : i32
    %dma_start3A_22 = tpu.memref_slice %arg2[%dma_start3A_20, %dma_start3A_21] : memref<1000000x128xf32, #tpu.memory_space<hbm>> -> memref<1000000x128xf32, #tpu.memory_space<hbm>>
    tpu.enqueue_indirect_dma source(%dma_start3A_22 : memref<1000000x128xf32, #tpu.memory_space<hbm>>) target(%arg8 : memref<50x128xf32, #tpu.memory_space<vmem>>) offsets(%dma_start3A_19 : memref<50xi32, #tpu.memory_space<vmem>>) semaphore(%arg17 : memref<!tpu.dma_semaphore, #tpu.memory_space<semaphore_mem>>)
    %dma_start3A_23 = arith.constant 3 : i32
    %dma_start3A_24 = arith.constant 0 : i32
    %dma_start3A_25 = tpu.memref_slice %arg5[%dma_start3A_23, %dma_start3A_24] : memref<512x50xi32, #tpu.memory_space<vmem>> -> memref<1x50xi32, #tpu.memory_space<vmem>>
    %dma_start3A_26 = tpu.memref_squeeze %dma_start3A_25 : memref<1x50xi32, #tpu.memory_space<vmem>> -> memref<50xi32, #tpu.memory_space<vmem>>
    %dma_start3A_27 = arith.constant 0 : i32
    %dma_start3A_28 = arith.constant 0 : i32
    %dma_start3A_29 = tpu.memref_slice %arg2[%dma_start3A_27, %dma_start3A_28] : memref<1000000x128xf32, #tpu.memory_space<hbm>> -> memref<1000000x128xf32, #tpu.memory_space<hbm>>
    tpu.enqueue_indirect_dma source(%dma_start3A_29 : memref<1000000x128xf32, #tpu.memory_space<hbm>>) target(%arg9 : memref<50x128xf32, #tpu.memory_space<vmem>>) offsets(%dma_start3A_26 : memref<50xi32, #tpu.memory_space<vmem>>) semaphore(%arg18 : memref<!tpu.dma_semaphore, #tpu.memory_space<semaphore_mem>>)
    %dma_start3A_30 = arith.constant 4 : i32
    %dma_start3A_31 = arith.constant 0 : i32
    %dma_start3A_32 = tpu.memref_slice %arg5[%dma_start3A_30, %dma_start3A_31] : memref<512x50xi32, #tpu.memory_space<vmem>> -> memref<1x50xi32, #tpu.memory_space<vmem>>
    %dma_start3A_33 = tpu.memref_squeeze %dma_start3A_32 : memref<1x50xi32, #tpu.memory_space<vmem>> -> memref<50xi32, #tpu.memory_space<vmem>>
    %dma_start3A_34 = arith.constant 0 : i32
    %dma_start3A_35 = arith.constant 0 : i32
    %dma_start3A_36 = tpu.memref_slice %arg2[%dma_start3A_34, %dma_start3A_35] : memref<1000000x128xf32, #tpu.memory_space<hbm>> -> memref<1000000x128xf32, #tpu.memory_space<hbm>>
    tpu.enqueue_indirect_dma source(%dma_start3A_36 : memref<1000000x128xf32, #tpu.memory_space<hbm>>) target(%arg10 : memref<50x128xf32, #tpu.memory_space<vmem>>) offsets(%dma_start3A_33 : memref<50xi32, #tpu.memory_space<vmem>>) semaphore(%arg19 : memref<!tpu.dma_semaphore, #tpu.memory_space<semaphore_mem>>)
    %dma_start3A_37 = arith.constant 5 : i32
    %dma_start3A_38 = arith.constant 0 : i32
    %dma_start3A_39 = tpu.memref_slice %arg5[%dma_start3A_37, %dma_start3A_38] : memref<512x50xi32, #tpu.memory_space<vmem>> -> memref<1x50xi32, #tpu.memory_space<vmem>>
    %dma_start3A_40 = tpu.memref_squeeze %dma_start3A_39 : memref<1x50xi32, #tpu.memory_space<vmem>> -> memref<50xi32, #tpu.memory_space<vmem>>
    %dma_start3A_41 = arith.constant 0 : i32
    %dma_start3A_42 = arith.constant 0 : i32
    %dma_start3A_43 = tpu.memref_slice %arg2[%dma_start3A_41, %dma_start3A_42] : memref<1000000x128xf32, #tpu.memory_space<hbm>> -> memref<1000000x128xf32, #tpu.memory_space<hbm>>
    tpu.enqueue_indirect_dma source(%dma_start3A_43 : memref<1000000x128xf32, #tpu.memory_space<hbm>>) target(%arg11 : memref<50x128xf32, #tpu.memory_space<vmem>>) offsets(%dma_start3A_40 : memref<50xi32, #tpu.memory_space<vmem>>) semaphore(%arg20 : memref<!tpu.dma_semaphore, #tpu.memory_space<semaphore_mem>>)
    %dma_start3A_44 = arith.constant 6 : i32
    %dma_start3A_45 = arith.constant 0 : i32
    %dma_start3A_46 = tpu.memref_slice %arg5[%dma_start3A_44, %dma_start3A_45] : memref<512x50xi32, #tpu.memory_space<vmem>> -> memref<1x50xi32, #tpu.memory_space<vmem>>
    %dma_start3A_47 = tpu.memref_squeeze %dma_start3A_46 : memref<1x50xi32, #tpu.memory_space<vmem>> -> memref<50xi32, #tpu.memory_space<vmem>>
    %dma_start3A_48 = arith.constant 0 : i32
    %dma_start3A_49 = arith.constant 0 : i32
    %dma_start3A_50 = tpu.memref_slice %arg2[%dma_start3A_48, %dma_start3A_49] : memref<1000000x128xf32, #tpu.memory_space<hbm>> -> memref<1000000x128xf32, #tpu.memory_space<hbm>>
    tpu.enqueue_indirect_dma source(%dma_start3A_50 : memref<1000000x128xf32, #tpu.memory_space<hbm>>) target(%arg12 : memref<50x128xf32, #tpu.memory_space<vmem>>) offsets(%dma_start3A_47 : memref<50xi32, #tpu.memory_space<vmem>>) semaphore(%arg21 : memref<!tpu.dma_semaphore, #tpu.memory_space<semaphore_mem>>)
    %broadcast_in_dim3A = arith.constant 0.000000e+00 : f32
    %broadcast_in_dim3A_51 = vector.broadcast %broadcast_in_dim3A : f32 to vector<16xf32>
    %scan3A = arith.constant 0 : i32
    %scan3A_52 = arith.constant 64 : i32
    %scan3A_53 = arith.addi %scan3A, %scan3A_52 : i32
    %scan3A_54 = arith.constant 1 : i32
    scf.for %scan3A_83 = %scan3A to %scan3A_53 step %scan3A_54  : i32 {
      %mul3A_84 = arith.constant 8 : i32
      %mul3A_85 = arith.muli %scan3A_83, %mul3A_84 : i32
      %add3A_86 = arith.constant 0 : i32
      %add3A_87 = arith.addi %add3A_86, %mul3A_85 : i32
      %add3A_88 = arith.constant 0 : i32
      %add3A_89 = arith.addi %add3A_87, %add3A_88 : i32
      %add3A_90 = arith.constant 8 : i32
      %add3A_91 = arith.addi %add3A_89, %add3A_90 : i32
      %sub3A = arith.constant 1 : i32
      %sub3A_92 = arith.subi %add3A_91, %sub3A : i32
      %lt3A = arith.constant 512 : i32
      %lt3A_93 = arith.cmpi slt, %sub3A_92, %lt3A : i32
      %convert_element_type3A = arith.extui %lt3A_93 : i1 to i32
      %cond3A = arith.constant 0 : i32
      %cond3A_94 = arith.cmpi ne, %convert_element_type3A, %cond3A : i32
      scf.if %cond3A_94 {
        %add3A_426 = arith.constant 8 : i32
        %add3A_427 = arith.addi %add3A_89, %add3A_426 : i32
        %sub3A_428 = arith.constant 1 : i32
        %sub3A_429 = arith.subi %add3A_427, %sub3A_428 : i32
        %dma_start3A_430 = arith.constant 0 : i32
        %dma_start3A_431 = tpu.memref_slice %arg5[%sub3A_429, %dma_start3A_430] : memref<512x50xi32, #tpu.memory_space<vmem>> -> memref<1x50xi32, #tpu.memory_space<vmem>>
        %dma_start3A_432 = tpu.memref_squeeze %dma_start3A_431 : memref<1x50xi32, #tpu.memory_space<vmem>> -> memref<50xi32, #tpu.memory_space<vmem>>
        %dma_start3A_433 = arith.constant 0 : i32
        %dma_start3A_434 = arith.constant 0 : i32
        %dma_start3A_435 = tpu.memref_slice %arg2[%dma_start3A_433, %dma_start3A_434] : memref<1000000x128xf32, #tpu.memory_space<hbm>> -> memref<1000000x128xf32, #tpu.memory_space<hbm>>
        tpu.enqueue_indirect_dma source(%dma_start3A_435 : memref<1000000x128xf32, #tpu.memory_space<hbm>>) target(%arg13 : memref<50x128xf32, #tpu.memory_space<vmem>>) offsets(%dma_start3A_432 : memref<50xi32, #tpu.memory_space<vmem>>) semaphore(%arg22 : memref<!tpu.dma_semaphore, #tpu.memory_space<semaphore_mem>>)
      } else {
      }
      %dma_wait3A_95 = arith.constant 0 : i32
      %dma_wait3A_96 = tpu.memref_slice %arg5[%add3A_89, %dma_wait3A_95] : memref<512x50xi32, #tpu.memory_space<vmem>> -> memref<1x50xi32, #tpu.memory_space<vmem>>
      %dma_wait3A_97 = tpu.memref_squeeze %dma_wait3A_96 : memref<1x50xi32, #tpu.memory_space<vmem>> -> memref<50xi32, #tpu.memory_space<vmem>>
      %dma_wait3A_98 = arith.constant 0 : i32
      %dma_wait3A_99 = arith.constant 0 : i32
      %dma_wait3A_100 = tpu.memref_slice %arg2[%dma_wait3A_98, %dma_wait3A_99] : memref<1000000x128xf32, #tpu.memory_space<hbm>> -> memref<1000000x128xf32, #tpu.memory_space<hbm>>
      tpu.wait_indirect_dma semaphore(%arg15 : memref<!tpu.dma_semaphore, #tpu.memory_space<semaphore_mem>>) src(%dma_wait3A_100 : memref<1000000x128xf32, #tpu.memory_space<hbm>>) dst(%arg6 : memref<50x128xf32, #tpu.memory_space<vmem>>)
      %parallel_loop3A = arith.constant 0 : i32
      %parallel_loop3A_101 = arith.constant 50 : i32
      %parallel_loop3A_102 = arith.constant 1 : i32
      %parallel_loop3A_103:8 = scf.for %parallel_loop3A_426 = %parallel_loop3A to %parallel_loop3A_101 step %parallel_loop3A_102 iter_args(%parallel_loop3A_427 = %broadcast_in_dim3A_51, %parallel_loop3A_428 = %broadcast_in_dim3A_51, %parallel_loop3A_429 = %broadcast_in_dim3A_51, %parallel_loop3A_430 = %broadcast_in_dim3A_51, %parallel_loop3A_431 = %broadcast_in_dim3A_51, %parallel_loop3A_432 = %broadcast_in_dim3A_51, %parallel_loop3A_433 = %broadcast_in_dim3A_51, %parallel_loop3A_434 = %broadcast_in_dim3A_51) -> (vector<16xf32>, vector<16xf32>, vector<16xf32>, vector<16xf32>, vector<16xf32>, vector<16xf32>, vector<16xf32>, vector<16xf32>)  : i32 {
        %parallel_loop3A_435 = arith.index_cast %parallel_loop3A_426 : i32 to index
        %parallel_loop3A_436 = arith.constant 0 : index
        %parallel_loop3A_437 = tpu.vector_load %arg6[%parallel_loop3A_435, %parallel_loop3A_436] {strides = array<i32>} : memref<50x128xf32, #tpu.memory_space<vmem>>, vector<1x16xf32>,
        %parallel_loop3A_438 = vector.shape_cast %parallel_loop3A_437 : vector<1x16xf32> to vector<16xf32>
        %parallel_loop3A_439 = arith.addf %parallel_loop3A_427, %parallel_loop3A_438 : vector<16xf32>
        %parallel_loop3A_440 = arith.index_cast %parallel_loop3A_426 : i32 to index
        %parallel_loop3A_441 = arith.constant 16 : index
        %parallel_loop3A_442 = tpu.vector_load %arg6[%parallel_loop3A_440, %parallel_loop3A_441] {strides = array<i32>} : memref<50x128xf32, #tpu.memory_space<vmem>>, vector<1x16xf32>,
        %parallel_loop3A_443 = vector.shape_cast %parallel_loop3A_442 : vector<1x16xf32> to vector<16xf32>
        %parallel_loop3A_444 = arith.addf %parallel_loop3A_428, %parallel_loop3A_443 : vector<16xf32>
        %parallel_loop3A_445 = arith.index_cast %parallel_loop3A_426 : i32 to index
        %parallel_loop3A_446 = arith.constant 32 : index
        %parallel_loop3A_447 = tpu.vector_load %arg6[%parallel_loop3A_445, %parallel_loop3A_446] {strides = array<i32>} : memref<50x128xf32, #tpu.memory_space<vmem>>, vector<1x16xf32>,
        %parallel_loop3A_448 = vector.shape_cast %parallel_loop3A_447 : vector<1x16xf32> to vector<16xf32>
        %parallel_loop3A_449 = arith.addf %parallel_loop3A_429, %parallel_loop3A_448 : vector<16xf32>
        %parallel_loop3A_450 = arith.index_cast %parallel_loop3A_426 : i32 to index
        %parallel_loop3A_451 = arith.constant 48 : index
        %parallel_loop3A_452 = tpu.vector_load %arg6[%parallel_loop3A_450, %parallel_loop3A_451] {strides = array<i32>} : memref<50x128xf32, #tpu.memory_space<vmem>>, vector<1x16xf32>,
        %parallel_loop3A_453 = vector.shape_cast %parallel_loop3A_452 : vector<1x16xf32> to vector<16xf32>
        %parallel_loop3A_454 = arith.addf %parallel_loop3A_430, %parallel_loop3A_453 : vector<16xf32>
        %parallel_loop3A_455 = arith.index_cast %parallel_loop3A_426 : i32 to index
        %parallel_loop3A_456 = arith.constant 64 : index
        %parallel_loop3A_457 = tpu.vector_load %arg6[%parallel_loop3A_455, %parallel_loop3A_456] {strides = array<i32>} : memref<50x128xf32, #tpu.memory_space<vmem>>, vector<1x16xf32>,
        %parallel_loop3A_458 = vector.shape_cast %parallel_loop3A_457 : vector<1x16xf32> to vector<16xf32>
        %parallel_loop3A_459 = arith.addf %parallel_loop3A_431, %parallel_loop3A_458 : vector<16xf32>
        %parallel_loop3A_460 = arith.index_cast %parallel_loop3A_426 : i32 to index
        %parallel_loop3A_461 = arith.constant 80 : index
        %parallel_loop3A_462 = tpu.vector_load %arg6[%parallel_loop3A_460, %parallel_loop3A_461] {strides = array<i32>} : memref<50x128xf32, #tpu.memory_space<vmem>>, vector<1x16xf32>,
        %parallel_loop3A_463 = vector.shape_cast %parallel_loop3A_462 : vector<1x16xf32> to vector<16xf32>
        %parallel_loop3A_464 = arith.addf %parallel_loop3A_432, %parallel_loop3A_463 : vector<16xf32>
        %parallel_loop3A_465 = arith.index_cast %parallel_loop3A_426 : i32 to index
        %parallel_loop3A_466 = arith.constant 96 : index
        %parallel_loop3A_467 = tpu.vector_load %arg6[%parallel_loop3A_465, %parallel_loop3A_466] {strides = array<i32>} : memref<50x128xf32, #tpu.memory_space<vmem>>, vector<1x16xf32>,
        %parallel_loop3A_468 = vector.shape_cast %parallel_loop3A_467 : vector<1x16xf32> to vector<16xf32>
        %parallel_loop3A_469 = arith.addf %parallel_loop3A_433, %parallel_loop3A_468 : vector<16xf32>
        %parallel_loop3A_470 = arith.index_cast %parallel_loop3A_426 : i32 to index
        %parallel_loop3A_471 = arith.constant 112 : index
        %parallel_loop3A_472 = tpu.vector_load %arg6[%parallel_loop3A_470, %parallel_loop3A_471] {strides = array<i32>} : memref<50x128xf32, #tpu.memory_space<vmem>>, vector<1x16xf32>,
        %parallel_loop3A_473 = vector.shape_cast %parallel_loop3A_472 : vector<1x16xf32> to vector<16xf32>
        %parallel_loop3A_474 = arith.addf %parallel_loop3A_434, %parallel_loop3A_473 : vector<16xf32>
        scf.yield %parallel_loop3A_439, %parallel_loop3A_444, %parallel_loop3A_449, %parallel_loop3A_454, %parallel_loop3A_459, %parallel_loop3A_464, %parallel_loop3A_469, %parallel_loop3A_474 : vector<16xf32>, vector<16xf32>, vector<16xf32>, vector<16xf32>, vector<16xf32>, vector<16xf32>, vector<16xf32>, vector<16xf32>
      } {sc.loop_unroll_factor = 2 : i64, sc.parallel_access}
      %add3A_104 = arith.constant 1 : i32
      %add3A_105 = arith.addi %add3A_87, %add3A_104 : i32
      %add3A_106 = arith.constant 8 : i32
      %add3A_107 = arith.addi %add3A_105, %add3A_106 : i32
      %sub3A_108 = arith.constant 1 : i32
      %sub3A_109 = arith.subi %add3A_107, %sub3A_108 : i32
      %lt3A_110 = arith.constant 512 : i32
      %lt3A_111 = arith.cmpi slt, %sub3A_109, %lt3A_110 : i32
      %convert_element_type3A_112 = arith.extui %lt3A_111 : i1 to i32
      %cond3A_113 = arith.constant 0 : i32
      %cond3A_114 = arith.cmpi ne, %convert_element_type3A_112, %cond3A_113 : i32
      scf.if %cond3A_114 {
        %add3A_426 = arith.constant 8 : i32
        %add3A_427 = arith.addi %add3A_105, %add3A_426 : i32
        %sub3A_428 = arith.constant 1 : i32
        %sub3A_429 = arith.subi %add3A_427, %sub3A_428 : i32
        %dma_start3A_430 = arith.constant 0 : i32
        %dma_start3A_431 = tpu.memref_slice %arg5[%sub3A_429, %dma_start3A_430] : memref<512x50xi32, #tpu.memory_space<vmem>> -> memref<1x50xi32, #tpu.memory_space<vmem>>
        %dma_start3A_432 = tpu.memref_squeeze %dma_start3A_431 : memref<1x50xi32, #tpu.memory_space<vmem>> -> memref<50xi32, #tpu.memory_space<vmem>>
        %dma_start3A_433 = arith.constant 0 : i32
        %dma_start3A_434 = arith.constant 0 : i32
        %dma_start3A_435 = tpu.memref_slice %arg2[%dma_start3A_433, %dma_start3A_434] : memref<1000000x128xf32, #tpu.memory_space<hbm>> -> memref<1000000x128xf32, #tpu.memory_space<hbm>>
        tpu.enqueue_indirect_dma source(%dma_start3A_435 : memref<1000000x128xf32, #tpu.memory_space<hbm>>) target(%arg6 : memref<50x128xf32, #tpu.memory_space<vmem>>) offsets(%dma_start3A_432 : memref<50xi32, #tpu.memory_space<vmem>>) semaphore(%arg15 : memref<!tpu.dma_semaphore, #tpu.memory_space<semaphore_mem>>)
      } else {
      }
      %dma_wait3A_115 = arith.constant 0 : i32
      %dma_wait3A_116 = tpu.memref_slice %arg5[%add3A_105, %dma_wait3A_115] : memref<512x50xi32, #tpu.memory_space<vmem>> -> memref<1x50xi32, #tpu.memory_space<vmem>>
      %dma_wait3A_117 = tpu.memref_squeeze %dma_wait3A_116 : memref<1x50xi32, #tpu.memory_space<vmem>> -> memref<50xi32, #tpu.memory_space<vmem>>
      %dma_wait3A_118 = arith.constant 0 : i32
      %dma_wait3A_119 = arith.constant 0 : i32
      %dma_wait3A_120 = tpu.memref_slice %arg2[%dma_wait3A_118, %dma_wait3A_119] : memref<1000000x128xf32, #tpu.memory_space<hbm>> -> memref<1000000x128xf32, #tpu.memory_space<hbm>>
      tpu.wait_indirect_dma semaphore(%arg16 : memref<!tpu.dma_semaphore, #tpu.memory_space<semaphore_mem>>) src(%dma_wait3A_120 : memref<1000000x128xf32, #tpu.memory_space<hbm>>) dst(%arg7 : memref<50x128xf32, #tpu.memory_space<vmem>>)
      %parallel_loop3A_121 = arith.constant 0 : i32
      %parallel_loop3A_122 = arith.constant 50 : i32
      %parallel_loop3A_123 = arith.constant 1 : i32
      %parallel_loop3A_124:8 = scf.for %parallel_loop3A_426 = %parallel_loop3A_121 to %parallel_loop3A_122 step %parallel_loop3A_123 iter_args(%parallel_loop3A_427 = %parallel_loop3A_103#0, %parallel_loop3A_428 = %parallel_loop3A_103#1, %parallel_loop3A_429 = %parallel_loop3A_103#2, %parallel_loop3A_430 = %parallel_loop3A_103#3, %parallel_loop3A_431 = %parallel_loop3A_103#4, %parallel_loop3A_432 = %parallel_loop3A_103#5, %parallel_loop3A_433 = %parallel_loop3A_103#6, %parallel_loop3A_434 = %parallel_loop3A_103#7) -> (vector<16xf32>, vector<16xf32>, vector<16xf32>, vector<16xf32>, vector<16xf32>, vector<16xf32>, vector<16xf32>, vector<16xf32>)  : i32 {
        %parallel_loop3A_435 = arith.index_cast %parallel_loop3A_426 : i32 to index
        %parallel_loop3A_436 = arith.constant 0 : index
        %parallel_loop3A_437 = tpu.vector_load %arg7[%parallel_loop3A_435, %parallel_loop3A_436] {strides = array<i32>} : memref<50x128xf32, #tpu.memory_space<vmem>>, vector<1x16xf32>,
        %parallel_loop3A_438 = vector.shape_cast %parallel_loop3A_437 : vector<1x16xf32> to vector<16xf32>
        %parallel_loop3A_439 = arith.addf %parallel_loop3A_427, %parallel_loop3A_438 : vector<16xf32>
        %parallel_loop3A_440 = arith.index_cast %parallel_loop3A_426 : i32 to index
        %parallel_loop3A_441 = arith.constant 16 : index
        %parallel_loop3A_442 = tpu.vector_load %arg7[%parallel_loop3A_440, %parallel_loop3A_441] {strides = array<i32>} : memref<50x128xf32, #tpu.memory_space<vmem>>, vector<1x16xf32>,
        %parallel_loop3A_443 = vector.shape_cast %parallel_loop3A_442 : vector<1x16xf32> to vector<16xf32>
        %parallel_loop3A_444 = arith.addf %parallel_loop3A_428, %parallel_loop3A_443 : vector<16xf32>
        %parallel_loop3A_445 = arith.index_cast %parallel_loop3A_426 : i32 to index
        %parallel_loop3A_446 = arith.constant 32 : index
        %parallel_loop3A_447 = tpu.vector_load %arg7[%parallel_loop3A_445, %parallel_loop3A_446] {strides = array<i32>} : memref<50x128xf32, #tpu.memory_space<vmem>>, vector<1x16xf32>,
        %parallel_loop3A_448 = vector.shape_cast %parallel_loop3A_447 : vector<1x16xf32> to vector<16xf32>
        %parallel_loop3A_449 = arith.addf %parallel_loop3A_429, %parallel_loop3A_448 : vector<16xf32>
        %parallel_loop3A_450 = arith.index_cast %parallel_loop3A_426 : i32 to index
        %parallel_loop3A_451 = arith.constant 48 : index
        %parallel_loop3A_452 = tpu.vector_load %arg7[%parallel_loop3A_450, %parallel_loop3A_451] {strides = array<i32>} : memref<50x128xf32, #tpu.memory_space<vmem>>, vector<1x16xf32>,
        %parallel_loop3A_453 = vector.shape_cast %parallel_loop3A_452 : vector<1x16xf32> to vector<16xf32>
        %parallel_loop3A_454 = arith.addf %parallel_loop3A_430, %parallel_loop3A_453 : vector<16xf32>
        %parallel_loop3A_455 = arith.index_cast %parallel_loop3A_426 : i32 to index
        %parallel_loop3A_456 = arith.constant 64 : index
        %parallel_loop3A_457 = tpu.vector_load %arg7[%parallel_loop3A_455, %parallel_loop3A_456] {strides = array<i32>} : memref<50x128xf32, #tpu.memory_space<vmem>>, vector<1x16xf32>,
        %parallel_loop3A_458 = vector.shape_cast %parallel_loop3A_457 : vector<1x16xf32> to vector<16xf32>
        %parallel_loop3A_459 = arith.addf %parallel_loop3A_431, %parallel_loop3A_458 : vector<16xf32>
        %parallel_loop3A_460 = arith.index_cast %parallel_loop3A_426 : i32 to index
        %parallel_loop3A_461 = arith.constant 80 : index
        %parallel_loop3A_462 = tpu.vector_load %arg7[%parallel_loop3A_460, %parallel_loop3A_461] {strides = array<i32>} : memref<50x128xf32, #tpu.memory_space<vmem>>, vector<1x16xf32>,
        %parallel_loop3A_463 = vector.shape_cast %parallel_loop3A_462 : vector<1x16xf32> to vector<16xf32>
        %parallel_loop3A_464 = arith.addf %parallel_loop3A_432, %parallel_loop3A_463 : vector<16xf32>
        %parallel_loop3A_465 = arith.index_cast %parallel_loop3A_426 : i32 to index
        %parallel_loop3A_466 = arith.constant 96 : index
        %parallel_loop3A_467 = tpu.vector_load %arg7[%parallel_loop3A_465, %parallel_loop3A_466] {strides = array<i32>} : memref<50x128xf32, #tpu.memory_space<vmem>>, vector<1x16xf32>,
        %parallel_loop3A_468 = vector.shape_cast %parallel_loop3A_467 : vector<1x16xf32> to vector<16xf32>
        %parallel_loop3A_469 = arith.addf %parallel_loop3A_433, %parallel_loop3A_468 : vector<16xf32>
        %parallel_loop3A_470 = arith.index_cast %parallel_loop3A_426 : i32 to index
        %parallel_loop3A_471 = arith.constant 112 : index
        %parallel_loop3A_472 = tpu.vector_load %arg7[%parallel_loop3A_470, %parallel_loop3A_471] {strides = array<i32>} : memref<50x128xf32, #tpu.memory_space<vmem>>, vector<1x16xf32>,
        %parallel_loop3A_473 = vector.shape_cast %parallel_loop3A_472 : vector<1x16xf32> to vector<16xf32>
        %parallel_loop3A_474 = arith.addf %parallel_loop3A_434, %parallel_loop3A_473 : vector<16xf32>
        scf.yield %parallel_loop3A_439, %parallel_loop3A_444, %parallel_loop3A_449, %parallel_loop3A_454, %parallel_loop3A_459, %parallel_loop3A_464, %parallel_loop3A_469, %parallel_loop3A_474 : vector<16xf32>, vector<16xf32>, vector<16xf32>, vector<16xf32>, vector<16xf32>, vector<16xf32>, vector<16xf32>, vector<16xf32>
      } {sc.loop_unroll_factor = 2 : i64, sc.parallel_access}
      %add3A_125 = arith.constant 2 : i32
      %add3A_126 = arith.addi %add3A_87, %add3A_125 : i32
      %add3A_127 = arith.constant 8 : i32
      %add3A_128 = arith.addi %add3A_126, %add3A_127 : i32
      %sub3A_129 = arith.constant 1 : i32
      %sub3A_130 = arith.subi %add3A_128, %sub3A_129 : i32
      %lt3A_131 = arith.constant 512 : i32
      %lt3A_132 = arith.cmpi slt, %sub3A_130, %lt3A_131 : i32
      %convert_element_type3A_133 = arith.extui %lt3A_132 : i1 to i32
      %cond3A_134 = arith.constant 0 : i32
      %cond3A_135 = arith.cmpi ne, %convert_element_type3A_133, %cond3A_134 : i32
      scf.if %cond3A_135 {
        %add3A_426 = arith.constant 8 : i32
        %add3A_427 = arith.addi %add3A_126, %add3A_426 : i32
        %sub3A_428 = arith.constant 1 : i32
        %sub3A_429 = arith.subi %add3A_427, %sub3A_428 : i32
        %dma_start3A_430 = arith.constant 0 : i32
        %dma_start3A_431 = tpu.memref_slice %arg5[%sub3A_429, %dma_start3A_430] : memref<512x50xi32, #tpu.memory_space<vmem>> -> memref<1x50xi32, #tpu.memory_space<vmem>>
        %dma_start3A_432 = tpu.memref_squeeze %dma_start3A_431 : memref<1x50xi32, #tpu.memory_space<vmem>> -> memref<50xi32, #tpu.memory_space<vmem>>
        %dma_start3A_433 = arith.constant 0 : i32
        %dma_start3A_434 = arith.constant 0 : i32
        %dma_start3A_435 = tpu.memref_slice %arg2[%dma_start3A_433, %dma_start3A_434] : memref<1000000x128xf32, #tpu.memory_space<hbm>> -> memref<1000000x128xf32, #tpu.memory_space<hbm>>
        tpu.enqueue_indirect_dma source(%dma_start3A_435 : memref<1000000x128xf32, #tpu.memory_space<hbm>>) target(%arg7 : memref<50x128xf32, #tpu.memory_space<vmem>>) offsets(%dma_start3A_432 : memref<50xi32, #tpu.memory_space<vmem>>) semaphore(%arg16 : memref<!tpu.dma_semaphore, #tpu.memory_space<semaphore_mem>>)
      } else {
      }
      %dma_wait3A_136 = arith.constant 0 : i32
      %dma_wait3A_137 = tpu.memref_slice %arg5[%add3A_126, %dma_wait3A_136] : memref<512x50xi32, #tpu.memory_space<vmem>> -> memref<1x50xi32, #tpu.memory_space<vmem>>
      %dma_wait3A_138 = tpu.memref_squeeze %dma_wait3A_137 : memref<1x50xi32, #tpu.memory_space<vmem>> -> memref<50xi32, #tpu.memory_space<vmem>>
      %dma_wait3A_139 = arith.constant 0 : i32
      %dma_wait3A_140 = arith.constant 0 : i32
      %dma_wait3A_141 = tpu.memref_slice %arg2[%dma_wait3A_139, %dma_wait3A_140] : memref<1000000x128xf32, #tpu.memory_space<hbm>> -> memref<1000000x128xf32, #tpu.memory_space<hbm>>
      tpu.wait_indirect_dma semaphore(%arg17 : memref<!tpu.dma_semaphore, #tpu.memory_space<semaphore_mem>>) src(%dma_wait3A_141 : memref<1000000x128xf32, #tpu.memory_space<hbm>>) dst(%arg8 : memref<50x128xf32, #tpu.memory_space<vmem>>)
      %parallel_loop3A_142 = arith.constant 0 : i32
      %parallel_loop3A_143 = arith.constant 50 : i32
      %parallel_loop3A_144 = arith.constant 1 : i32
      %parallel_loop3A_145:8 = scf.for %parallel_loop3A_426 = %parallel_loop3A_142 to %parallel_loop3A_143 step %parallel_loop3A_144 iter_args(%parallel_loop3A_427 = %parallel_loop3A_124#0, %parallel_loop3A_428 = %parallel_loop3A_124#1, %parallel_loop3A_429 = %parallel_loop3A_124#2, %parallel_loop3A_430 = %parallel_loop3A_124#3, %parallel_loop3A_431 = %parallel_loop3A_124#4, %parallel_loop3A_432 = %parallel_loop3A_124#5, %parallel_loop3A_433 = %parallel_loop3A_124#6, %parallel_loop3A_434 = %parallel_loop3A_124#7) -> (vector<16xf32>, vector<16xf32>, vector<16xf32>, vector<16xf32>, vector<16xf32>, vector<16xf32>, vector<16xf32>, vector<16xf32>)  : i32 {
        %parallel_loop3A_435 = arith.index_cast %parallel_loop3A_426 : i32 to index
        %parallel_loop3A_436 = arith.constant 0 : index
        %parallel_loop3A_437 = tpu.vector_load %arg8[%parallel_loop3A_435, %parallel_loop3A_436] {strides = array<i32>} : memref<50x128xf32, #tpu.memory_space<vmem>>, vector<1x16xf32>,
        %parallel_loop3A_438 = vector.shape_cast %parallel_loop3A_437 : vector<1x16xf32> to vector<16xf32>
        %parallel_loop3A_439 = arith.addf %parallel_loop3A_427, %parallel_loop3A_438 : vector<16xf32>
        %parallel_loop3A_440 = arith.index_cast %parallel_loop3A_426 : i32 to index
        %parallel_loop3A_441 = arith.constant 16 : index
        %parallel_loop3A_442 = tpu.vector_load %arg8[%parallel_loop3A_440, %parallel_loop3A_441] {strides = array<i32>} : memref<50x128xf32, #tpu.memory_space<vmem>>, vector<1x16xf32>,
        %parallel_loop3A_443 = vector.shape_cast %parallel_loop3A_442 : vector<1x16xf32> to vector<16xf32>
        %parallel_loop3A_444 = arith.addf %parallel_loop3A_428, %parallel_loop3A_443 : vector<16xf32>
        %parallel_loop3A_445 = arith.index_cast %parallel_loop3A_426 : i32 to index
        %parallel_loop3A_446 = arith.constant 32 : index
        %parallel_loop3A_447 = tpu.vector_load %arg8[%parallel_loop3A_445, %parallel_loop3A_446] {strides = array<i32>} : memref<50x128xf32, #tpu.memory_space<vmem>>, vector<1x16xf32>,
        %parallel_loop3A_448 = vector.shape_cast %parallel_loop3A_447 : vector<1x16xf32> to vector<16xf32>
        %parallel_loop3A_449 = arith.addf %parallel_loop3A_429, %parallel_loop3A_448 : vector<16xf32>
        %parallel_loop3A_450 = arith.index_cast %parallel_loop3A_426 : i32 to index
        %parallel_loop3A_451 = arith.constant 48 : index
        %parallel_loop3A_452 = tpu.vector_load %arg8[%parallel_loop3A_450, %parallel_loop3A_451] {strides = array<i32>} : memref<50x128xf32, #tpu.memory_space<vmem>>, vector<1x16xf32>,
        %parallel_loop3A_453 = vector.shape_cast %parallel_loop3A_452 : vector<1x16xf32> to vector<16xf32>
        %parallel_loop3A_454 = arith.addf %parallel_loop3A_430, %parallel_loop3A_453 : vector<16xf32>
        %parallel_loop3A_455 = arith.index_cast %parallel_loop3A_426 : i32 to index
        %parallel_loop3A_456 = arith.constant 64 : index
        %parallel_loop3A_457 = tpu.vector_load %arg8[%parallel_loop3A_455, %parallel_loop3A_456] {strides = array<i32>} : memref<50x128xf32, #tpu.memory_space<vmem>>, vector<1x16xf32>,
        %parallel_loop3A_458 = vector.shape_cast %parallel_loop3A_457 : vector<1x16xf32> to vector<16xf32>
        %parallel_loop3A_459 = arith.addf %parallel_loop3A_431, %parallel_loop3A_458 : vector<16xf32>
        %parallel_loop3A_460 = arith.index_cast %parallel_loop3A_426 : i32 to index
        %parallel_loop3A_461 = arith.constant 80 : index
        %parallel_loop3A_462 = tpu.vector_load %arg8[%parallel_loop3A_460, %parallel_loop3A_461] {strides = array<i32>} : memref<50x128xf32, #tpu.memory_space<vmem>>, vector<1x16xf32>,
        %parallel_loop3A_463 = vector.shape_cast %parallel_loop3A_462 : vector<1x16xf32> to vector<16xf32>
        %parallel_loop3A_464 = arith.addf %parallel_loop3A_432, %parallel_loop3A_463 : vector<16xf32>
        %parallel_loop3A_465 = arith.index_cast %parallel_loop3A_426 : i32 to index
        %parallel_loop3A_466 = arith.constant 96 : index
        %parallel_loop3A_467 = tpu.vector_load %arg8[%parallel_loop3A_465, %parallel_loop3A_466] {strides = array<i32>} : memref<50x128xf32, #tpu.memory_space<vmem>>, vector<1x16xf32>,
        %parallel_loop3A_468 = vector.shape_cast %parallel_loop3A_467 : vector<1x16xf32> to vector<16xf32>
        %parallel_loop3A_469 = arith.addf %parallel_loop3A_433, %parallel_loop3A_468 : vector<16xf32>
        %parallel_loop3A_470 = arith.index_cast %parallel_loop3A_426 : i32 to index
        %parallel_loop3A_471 = arith.constant 112 : index
        %parallel_loop3A_472 = tpu.vector_load %arg8[%parallel_loop3A_470, %parallel_loop3A_471] {strides = array<i32>} : memref<50x128xf32, #tpu.memory_space<vmem>>, vector<1x16xf32>,
        %parallel_loop3A_473 = vector.shape_cast %parallel_loop3A_472 : vector<1x16xf32> to vector<16xf32>
        %parallel_loop3A_474 = arith.addf %parallel_loop3A_434, %parallel_loop3A_473 : vector<16xf32>
        scf.yield %parallel_loop3A_439, %parallel_loop3A_444, %parallel_loop3A_449, %parallel_loop3A_454, %parallel_loop3A_459, %parallel_loop3A_464, %parallel_loop3A_469, %parallel_loop3A_474 : vector<16xf32>, vector<16xf32>, vector<16xf32>, vector<16xf32>, vector<16xf32>, vector<16xf32>, vector<16xf32>, vector<16xf32>
      } {sc.loop_unroll_factor = 2 : i64, sc.parallel_access}
      %add3A_146 = arith.constant 3 : i32
      %add3A_147 = arith.addi %add3A_87, %add3A_146 : i32
      %add3A_148 = arith.constant 8 : i32
      %add3A_149 = arith.addi %add3A_147, %add3A_148 : i32
      %sub3A_150 = arith.constant 1 : i32
      %sub3A_151 = arith.subi %add3A_149, %sub3A_150 : i32
      %lt3A_152 = arith.constant 512 : i32
      %lt3A_153 = arith.cmpi slt, %sub3A_151, %lt3A_152 : i32
      %convert_element_type3A_154 = arith.extui %lt3A_153 : i1 to i32
      %cond3A_155 = arith.constant 0 : i32
      %cond3A_156 = arith.cmpi ne, %convert_element_type3A_154, %cond3A_155 : i32
      scf.if %cond3A_156 {
        %add3A_426 = arith.constant 8 : i32
        %add3A_427 = arith.addi %add3A_147, %add3A_426 : i32
        %sub3A_428 = arith.constant 1 : i32
        %sub3A_429 = arith.subi %add3A_427, %sub3A_428 : i32
        %dma_start3A_430 = arith.constant 0 : i32
        %dma_start3A_431 = tpu.memref_slice %arg5[%sub3A_429, %dma_start3A_430] : memref<512x50xi32, #tpu.memory_space<vmem>> -> memref<1x50xi32, #tpu.memory_space<vmem>>
        %dma_start3A_432 = tpu.memref_squeeze %dma_start3A_431 : memref<1x50xi32, #tpu.memory_space<vmem>> -> memref<50xi32, #tpu.memory_space<vmem>>
        %dma_start3A_433 = arith.constant 0 : i32
        %dma_start3A_434 = arith.constant 0 : i32
        %dma_start3A_435 = tpu.memref_slice %arg2[%dma_start3A_433, %dma_start3A_434] : memref<1000000x128xf32, #tpu.memory_space<hbm>> -> memref<1000000x128xf32, #tpu.memory_space<hbm>>
        tpu.enqueue_indirect_dma source(%dma_start3A_435 : memref<1000000x128xf32, #tpu.memory_space<hbm>>) target(%arg8 : memref<50x128xf32, #tpu.memory_space<vmem>>) offsets(%dma_start3A_432 : memref<50xi32, #tpu.memory_space<vmem>>) semaphore(%arg17 : memref<!tpu.dma_semaphore, #tpu.memory_space<semaphore_mem>>)
      } else {
      }
      %dma_wait3A_157 = arith.constant 0 : i32
      %dma_wait3A_158 = tpu.memref_slice %arg5[%add3A_147, %dma_wait3A_157] : memref<512x50xi32, #tpu.memory_space<vmem>> -> memref<1x50xi32, #tpu.memory_space<vmem>>
      %dma_wait3A_159 = tpu.memref_squeeze %dma_wait3A_158 : memref<1x50xi32, #tpu.memory_space<vmem>> -> memref<50xi32, #tpu.memory_space<vmem>>
      %dma_wait3A_160 = arith.constant 0 : i32
      %dma_wait3A_161 = arith.constant 0 : i32
      %dma_wait3A_162 = tpu.memref_slice %arg2[%dma_wait3A_160, %dma_wait3A_161] : memref<1000000x128xf32, #tpu.memory_space<hbm>> -> memref<1000000x128xf32, #tpu.memory_space<hbm>>
      tpu.wait_indirect_dma semaphore(%arg18 : memref<!tpu.dma_semaphore, #tpu.memory_space<semaphore_mem>>) src(%dma_wait3A_162 : memref<1000000x128xf32, #tpu.memory_space<hbm>>) dst(%arg9 : memref<50x128xf32, #tpu.memory_space<vmem>>)
      %parallel_loop3A_163 = arith.constant 0 : i32
      %parallel_loop3A_164 = arith.constant 50 : i32
      %parallel_loop3A_165 = arith.constant 1 : i32
      %parallel_loop3A_166:8 = scf.for %parallel_loop3A_426 = %parallel_loop3A_163 to %parallel_loop3A_164 step %parallel_loop3A_165 iter_args(%parallel_loop3A_427 = %parallel_loop3A_145#0, %parallel_loop3A_428 = %parallel_loop3A_145#1, %parallel_loop3A_429 = %parallel_loop3A_145#2, %parallel_loop3A_430 = %parallel_loop3A_145#3, %parallel_loop3A_431 = %parallel_loop3A_145#4, %parallel_loop3A_432 = %parallel_loop3A_145#5, %parallel_loop3A_433 = %parallel_loop3A_145#6, %parallel_loop3A_434 = %parallel_loop3A_145#7) -> (vector<16xf32>, vector<16xf32>, vector<16xf32>, vector<16xf32>, vector<16xf32>, vector<16xf32>, vector<16xf32>, vector<16xf32>)  : i32 {
        %parallel_loop3A_435 = arith.index_cast %parallel_loop3A_426 : i32 to index
        %parallel_loop3A_436 = arith.constant 0 : index
        %parallel_loop3A_437 = tpu.vector_load %arg9[%parallel_loop3A_435, %parallel_loop3A_436] {strides = array<i32>} : memref<50x128xf32, #tpu.memory_space<vmem>>, vector<1x16xf32>,
        %parallel_loop3A_438 = vector.shape_cast %parallel_loop3A_437 : vector<1x16xf32> to vector<16xf32>
        %parallel_loop3A_439 = arith.addf %parallel_loop3A_427, %parallel_loop3A_438 : vector<16xf32>
        %parallel_loop3A_440 = arith.index_cast %parallel_loop3A_426 : i32 to index
        %parallel_loop3A_441 = arith.constant 16 : index
        %parallel_loop3A_442 = tpu.vector_load %arg9[%parallel_loop3A_440, %parallel_loop3A_441] {strides = array<i32>} : memref<50x128xf32, #tpu.memory_space<vmem>>, vector<1x16xf32>,
        %parallel_loop3A_443 = vector.shape_cast %parallel_loop3A_442 : vector<1x16xf32> to vector<16xf32>
        %parallel_loop3A_444 = arith.addf %parallel_loop3A_428, %parallel_loop3A_443 : vector<16xf32>
        %parallel_loop3A_445 = arith.index_cast %parallel_loop3A_426 : i32 to index
        %parallel_loop3A_446 = arith.constant 32 : index
        %parallel_loop3A_447 = tpu.vector_load %arg9[%parallel_loop3A_445, %parallel_loop3A_446] {strides = array<i32>} : memref<50x128xf32, #tpu.memory_space<vmem>>, vector<1x16xf32>,
        %parallel_loop3A_448 = vector.shape_cast %parallel_loop3A_447 : vector<1x16xf32> to vector<16xf32>
        %parallel_loop3A_449 = arith.addf %parallel_loop3A_429, %parallel_loop3A_448 : vector<16xf32>
        %parallel_loop3A_450 = arith.index_cast %parallel_loop3A_426 : i32 to index
        %parallel_loop3A_451 = arith.constant 48 : index
        %parallel_loop3A_452 = tpu.vector_load %arg9[%parallel_loop3A_450, %parallel_loop3A_451] {strides = array<i32>} : memref<50x128xf32, #tpu.memory_space<vmem>>, vector<1x16xf32>,
        %parallel_loop3A_453 = vector.shape_cast %parallel_loop3A_452 : vector<1x16xf32> to vector<16xf32>
        %parallel_loop3A_454 = arith.addf %parallel_loop3A_430, %parallel_loop3A_453 : vector<16xf32>
        %parallel_loop3A_455 = arith.index_cast %parallel_loop3A_426 : i32 to index
        %parallel_loop3A_456 = arith.constant 64 : index
        %parallel_loop3A_457 = tpu.vector_load %arg9[%parallel_loop3A_455, %parallel_loop3A_456] {strides = array<i32>} : memref<50x128xf32, #tpu.memory_space<vmem>>, vector<1x16xf32>,
        %parallel_loop3A_458 = vector.shape_cast %parallel_loop3A_457 : vector<1x16xf32> to vector<16xf32>
        %parallel_loop3A_459 = arith.addf %parallel_loop3A_431, %parallel_loop3A_458 : vector<16xf32>
        %parallel_loop3A_460 = arith.index_cast %parallel_loop3A_426 : i32 to index
        %parallel_loop3A_461 = arith.constant 80 : index
        %parallel_loop3A_462 = tpu.vector_load %arg9[%parallel_loop3A_460, %parallel_loop3A_461] {strides = array<i32>} : memref<50x128xf32, #tpu.memory_space<vmem>>, vector<1x16xf32>,
        %parallel_loop3A_463 = vector.shape_cast %parallel_loop3A_462 : vector<1x16xf32> to vector<16xf32>
        %parallel_loop3A_464 = arith.addf %parallel_loop3A_432, %parallel_loop3A_463 : vector<16xf32>
        %parallel_loop3A_465 = arith.index_cast %parallel_loop3A_426 : i32 to index
        %parallel_loop3A_466 = arith.constant 96 : index
        %parallel_loop3A_467 = tpu.vector_load %arg9[%parallel_loop3A_465, %parallel_loop3A_466] {strides = array<i32>} : memref<50x128xf32, #tpu.memory_space<vmem>>, vector<1x16xf32>,
        %parallel_loop3A_468 = vector.shape_cast %parallel_loop3A_467 : vector<1x16xf32> to vector<16xf32>
        %parallel_loop3A_469 = arith.addf %parallel_loop3A_433, %parallel_loop3A_468 : vector<16xf32>
        %parallel_loop3A_470 = arith.index_cast %parallel_loop3A_426 : i32 to index
        %parallel_loop3A_471 = arith.constant 112 : index
        %parallel_loop3A_472 = tpu.vector_load %arg9[%parallel_loop3A_470, %parallel_loop3A_471] {strides = array<i32>} : memref<50x128xf32, #tpu.memory_space<vmem>>, vector<1x16xf32>,
        %parallel_loop3A_473 = vector.shape_cast %parallel_loop3A_472 : vector<1x16xf32> to vector<16xf32>
        %parallel_loop3A_474 = arith.addf %parallel_loop3A_434, %parallel_loop3A_473 : vector<16xf32>
        scf.yield %parallel_loop3A_439, %parallel_loop3A_444, %parallel_loop3A_449, %parallel_loop3A_454, %parallel_loop3A_459, %parallel_loop3A_464, %parallel_loop3A_469, %parallel_loop3A_474 : vector<16xf32>, vector<16xf32>, vector<16xf32>, vector<16xf32>, vector<16xf32>, vector<16xf32>, vector<16xf32>, vector<16xf32>
      } {sc.loop_unroll_factor = 2 : i64, sc.parallel_access}
      %add3A_167 = arith.constant 3 : i32
      %add3A_168 = arith.addi %add3A_87, %add3A_167 : i32
      %jit3A = arith.constant 4 : i32
      %div3A = arith.divsi %add3A_168, %jit3A : i32
      %sign3A = arith.constant 0 : i32
      %sign3A_169 = arith.cmpi sgt, %add3A_168, %sign3A : i32
      %sign3A_170 = arith.extui %sign3A_169 : i1 to i32
      %sign3A_171 = arith.constant 0 : i32
      %sign3A_172 = arith.cmpi slt, %add3A_168, %sign3A_171 : i32
      %sign3A_173 = arith.extui %sign3A_172 : i1 to i32
      %sign3A_174 = arith.subi %sign3A_170, %sign3A_173 : i32
      %sign3A_175 = arith.constant 0 : i32
      %sign3A_176 = arith.cmpi sgt, %jit3A, %sign3A_175 : i32
      %sign3A_177 = arith.extui %sign3A_176 : i1 to i32
      %sign3A_178 = arith.constant 0 : i32
      %sign3A_179 = arith.cmpi slt, %jit3A, %sign3A_178 : i32
      %sign3A_180 = arith.extui %sign3A_179 : i1 to i32
      %sign3A_181 = arith.subi %sign3A_177, %sign3A_180 : i32
      %ne3A = arith.cmpi ne, %sign3A_174, %sign3A_181 : i32
      %rem3A = arith.remsi %add3A_168, %jit3A : i32
      %ne3A_182 = arith.constant 0 : i32
      %ne3A_183 = arith.cmpi ne, %rem3A, %ne3A_182 : i32
      %and3A = arith.andi %ne3A, %ne3A_183 : i1
      %sub3A_184 = arith.constant 1 : i32
      %sub3A_185 = arith.subi %div3A, %sub3A_184 : i32
      %select_n3A = arith.select %and3A, %sub3A_185, %div3A : i32
      %ge3A = arith.constant 2 : i32
      %ge3A_186 = arith.cmpi sge, %select_n3A, %ge3A : i32
      %convert_element_type3A_187 = arith.extui %ge3A_186 : i1 to i32
      %cond3A_188 = arith.constant 0 : i32
      %cond3A_189 = arith.cmpi ne, %convert_element_type3A_187, %cond3A_188 : i32
      scf.if %cond3A_189 {
        %mul3A_426 = arith.constant 128 : i32
        %mul3A_427 = arith.muli %add3A, %mul3A_426 : i32
        %add3A_428 = arith.addi %mul3A_427, %select_n3A : i32
        %sub3A_429 = arith.constant 2 : i32
        %sub3A_430 = arith.subi %add3A_428, %sub3A_429 : i32
        %dma_wait3A_431 = arith.constant 0 : i32
        %dma_wait3A_432 = arith.constant 0 : i32
        %dma_wait3A_433 = tpu.memref_slice %arg14[%dma_wait3A_431, %dma_wait3A_432] : memref<2x128xf32, #tpu.memory_space<vmem>> -> memref<1x128xf32, #tpu.memory_space<vmem>>
        %dma_wait3A_434 = arith.constant 0 : i32
        %dma_wait3A_435 = tpu.memref_slice %arg4[%sub3A_430, %dma_wait3A_434] : memref<4096x128xf32, #tpu.memory_space<hbm>> -> memref<1x128xf32, #tpu.memory_space<hbm>>
        %dma_wait3A_436 = arith.constant 0 : i32
        %dma_wait3A_437 = tpu.memref_slice %arg4[%sub3A_430, %dma_wait3A_436] : memref<4096x128xf32, #tpu.memory_space<hbm>> -> memref<1x128xf32, #tpu.memory_space<hbm>>
        %dma_wait3A_438 = arith.constant 0 : i32
        %dma_wait3A_439 = arith.constant 0 : i32
        %dma_wait3A_440 = tpu.memref_slice %arg14[%dma_wait3A_438, %dma_wait3A_439] : memref<2x128xf32, #tpu.memory_space<vmem>> -> memref<1x128xf32, #tpu.memory_space<vmem>>
        tpu.wait_dma2 semaphore(%arg23 : memref<!tpu.dma_semaphore, #tpu.memory_space<semaphore_mem>>) src(%dma_wait3A_440 : memref<1x128xf32, #tpu.memory_space<vmem>>) dst(%dma_wait3A_437 : memref<1x128xf32, #tpu.memory_space<hbm>>)
      } else {
      }
      %swap3A = arith.constant 0 : i32
      %swap3A_190 = arith.index_cast %swap3A : i32 to index
      %swap3A_191 = arith.constant 0 : index
      %swap3A_192 = tpu.vector_load %arg14[%swap3A_190, %swap3A_191] {strides = array<i32>} : memref<2x128xf32, #tpu.memory_space<vmem>>, vector<1x16xf32>,
      %swap3A_193 = vector.shape_cast %swap3A_192 : vector<1x16xf32> to vector<16xf32>
      %swap3A_194 = vector.shape_cast %parallel_loop3A_166#0 : vector<16xf32> to vector<1x16xf32>
      tpu.vector_store %arg14[%swap3A_190, %swap3A_191], %swap3A_194 {strides = array<i32>} : memref<2x128xf32, #tpu.memory_space<vmem>>, vector<1x16xf32>,
      %swap3A_195 = arith.constant 0 : i32
      %swap3A_196 = arith.index_cast %swap3A_195 : i32 to index
      %swap3A_197 = arith.constant 16 : index
      %swap3A_198 = tpu.vector_load %arg14[%swap3A_196, %swap3A_197] {strides = array<i32>} : memref<2x128xf32, #tpu.memory_space<vmem>>, vector<1x16xf32>,
      %swap3A_199 = vector.shape_cast %swap3A_198 : vector<1x16xf32> to vector<16xf32>
      %swap3A_200 = vector.shape_cast %parallel_loop3A_166#1 : vector<16xf32> to vector<1x16xf32>
      tpu.vector_store %arg14[%swap3A_196, %swap3A_197], %swap3A_200 {strides = array<i32>} : memref<2x128xf32, #tpu.memory_space<vmem>>, vector<1x16xf32>,
      %swap3A_201 = arith.constant 0 : i32
      %swap3A_202 = arith.index_cast %swap3A_201 : i32 to index
      %swap3A_203 = arith.constant 32 : index
      %swap3A_204 = tpu.vector_load %arg14[%swap3A_202, %swap3A_203] {strides = array<i32>} : memref<2x128xf32, #tpu.memory_space<vmem>>, vector<1x16xf32>,
      %swap3A_205 = vector.shape_cast %swap3A_204 : vector<1x16xf32> to vector<16xf32>
      %swap3A_206 = vector.shape_cast %parallel_loop3A_166#2 : vector<16xf32> to vector<1x16xf32>
      tpu.vector_store %arg14[%swap3A_202, %swap3A_203], %swap3A_206 {strides = array<i32>} : memref<2x128xf32, #tpu.memory_space<vmem>>, vector<1x16xf32>,
      %swap3A_207 = arith.constant 0 : i32
      %swap3A_208 = arith.index_cast %swap3A_207 : i32 to index
      %swap3A_209 = arith.constant 48 : index
      %swap3A_210 = tpu.vector_load %arg14[%swap3A_208, %swap3A_209] {strides = array<i32>} : memref<2x128xf32, #tpu.memory_space<vmem>>, vector<1x16xf32>,
      %swap3A_211 = vector.shape_cast %swap3A_210 : vector<1x16xf32> to vector<16xf32>
      %swap3A_212 = vector.shape_cast %parallel_loop3A_166#3 : vector<16xf32> to vector<1x16xf32>
      tpu.vector_store %arg14[%swap3A_208, %swap3A_209], %swap3A_212 {strides = array<i32>} : memref<2x128xf32, #tpu.memory_space<vmem>>, vector<1x16xf32>,
      %swap3A_213 = arith.constant 0 : i32
      %swap3A_214 = arith.index_cast %swap3A_213 : i32 to index
      %swap3A_215 = arith.constant 64 : index
      %swap3A_216 = tpu.vector_load %arg14[%swap3A_214, %swap3A_215] {strides = array<i32>} : memref<2x128xf32, #tpu.memory_space<vmem>>, vector<1x16xf32>,
      %swap3A_217 = vector.shape_cast %swap3A_216 : vector<1x16xf32> to vector<16xf32>
      %swap3A_218 = vector.shape_cast %parallel_loop3A_166#4 : vector<16xf32> to vector<1x16xf32>
      tpu.vector_store %arg14[%swap3A_214, %swap3A_215], %swap3A_218 {strides = array<i32>} : memref<2x128xf32, #tpu.memory_space<vmem>>, vector<1x16xf32>,
      %swap3A_219 = arith.constant 0 : i32
      %swap3A_220 = arith.index_cast %swap3A_219 : i32 to index
      %swap3A_221 = arith.constant 80 : index
      %swap3A_222 = tpu.vector_load %arg14[%swap3A_220, %swap3A_221] {strides = array<i32>} : memref<2x128xf32, #tpu.memory_space<vmem>>, vector<1x16xf32>,
      %swap3A_223 = vector.shape_cast %swap3A_222 : vector<1x16xf32> to vector<16xf32>
      %swap3A_224 = vector.shape_cast %parallel_loop3A_166#5 : vector<16xf32> to vector<1x16xf32>
      tpu.vector_store %arg14[%swap3A_220, %swap3A_221], %swap3A_224 {strides = array<i32>} : memref<2x128xf32, #tpu.memory_space<vmem>>, vector<1x16xf32>,
      %swap3A_225 = arith.constant 0 : i32
      %swap3A_226 = arith.index_cast %swap3A_225 : i32 to index
      %swap3A_227 = arith.constant 96 : index
      %swap3A_228 = tpu.vector_load %arg14[%swap3A_226, %swap3A_227] {strides = array<i32>} : memref<2x128xf32, #tpu.memory_space<vmem>>, vector<1x16xf32>,
      %swap3A_229 = vector.shape_cast %swap3A_228 : vector<1x16xf32> to vector<16xf32>
      %swap3A_230 = vector.shape_cast %parallel_loop3A_166#6 : vector<16xf32> to vector<1x16xf32>
      tpu.vector_store %arg14[%swap3A_226, %swap3A_227], %swap3A_230 {strides = array<i32>} : memref<2x128xf32, #tpu.memory_space<vmem>>, vector<1x16xf32>,
      %swap3A_231 = arith.constant 0 : i32
      %swap3A_232 = arith.index_cast %swap3A_231 : i32 to index
      %swap3A_233 = arith.constant 112 : index
      %swap3A_234 = tpu.vector_load %arg14[%swap3A_232, %swap3A_233] {strides = array<i32>} : memref<2x128xf32, #tpu.memory_space<vmem>>, vector<1x16xf32>,
      %swap3A_235 = vector.shape_cast %swap3A_234 : vector<1x16xf32> to vector<16xf32>
      %swap3A_236 = vector.shape_cast %parallel_loop3A_166#7 : vector<16xf32> to vector<1x16xf32>
      tpu.vector_store %arg14[%swap3A_232, %swap3A_233], %swap3A_236 {strides = array<i32>} : memref<2x128xf32, #tpu.memory_space<vmem>>, vector<1x16xf32>,
      %mul3A_237 = arith.constant 128 : i32
      %mul3A_238 = arith.muli %add3A, %mul3A_237 : i32
      %add3A_239 = arith.addi %mul3A_238, %select_n3A : i32
      %dma_start3A_240 = arith.constant 0 : i32
      %dma_start3A_241 = arith.constant 0 : i32
      %dma_start3A_242 = tpu.memref_slice %arg14[%dma_start3A_240, %dma_start3A_241] : memref<2x128xf32, #tpu.memory_space<vmem>> -> memref<1x128xf32, #tpu.memory_space<vmem>>
      %dma_start3A_243 = arith.constant 0 : i32
      %dma_start3A_244 = tpu.memref_slice %arg4[%add3A_239, %dma_start3A_243] : memref<4096x128xf32, #tpu.memory_space<hbm>> -> memref<1x128xf32, #tpu.memory_space<hbm>>
      %dma_start3A_245 = arith.constant 0 : i32
      %dma_start3A_246 = tpu.memref_slice %arg4[%add3A_239, %dma_start3A_245] : memref<4096x128xf32, #tpu.memory_space<hbm>> -> memref<1x128xf32, #tpu.memory_space<hbm>>
      %dma_start3A_247 = arith.constant 0 : i32
      %dma_start3A_248 = arith.constant 0 : i32
      %dma_start3A_249 = tpu.memref_slice %arg14[%dma_start3A_247, %dma_start3A_248] : memref<2x128xf32, #tpu.memory_space<vmem>> -> memref<1x128xf32, #tpu.memory_space<vmem>>
      tpu.enqueue_dma source(%dma_start3A_249 : memref<1x128xf32, #tpu.memory_space<vmem>>) target(%dma_start3A_246 : memref<1x128xf32, #tpu.memory_space<hbm>>) target_semaphore(%arg23 : memref<!tpu.dma_semaphore, #tpu.memory_space<semaphore_mem>>)
      %add3A_250 = arith.constant 4 : i32
      %add3A_251 = arith.addi %add3A_87, %add3A_250 : i32
      %add3A_252 = arith.constant 8 : i32
      %add3A_253 = arith.addi %add3A_251, %add3A_252 : i32
      %sub3A_254 = arith.constant 1 : i32
      %sub3A_255 = arith.subi %add3A_253, %sub3A_254 : i32
      %lt3A_256 = arith.constant 512 : i32
      %lt3A_257 = arith.cmpi slt, %sub3A_255, %lt3A_256 : i32
      %convert_element_type3A_258 = arith.extui %lt3A_257 : i1 to i32
      %cond3A_259 = arith.constant 0 : i32
      %cond3A_260 = arith.cmpi ne, %convert_element_type3A_258, %cond3A_259 : i32
      scf.if %cond3A_260 {
        %add3A_426 = arith.constant 8 : i32
        %add3A_427 = arith.addi %add3A_251, %add3A_426 : i32
        %sub3A_428 = arith.constant 1 : i32
        %sub3A_429 = arith.subi %add3A_427, %sub3A_428 : i32
        %dma_start3A_430 = arith.constant 0 : i32
        %dma_start3A_431 = tpu.memref_slice %arg5[%sub3A_429, %dma_start3A_430] : memref<512x50xi32, #tpu.memory_space<vmem>> -> memref<1x50xi32, #tpu.memory_space<vmem>>
        %dma_start3A_432 = tpu.memref_squeeze %dma_start3A_431 : memref<1x50xi32, #tpu.memory_space<vmem>> -> memref<50xi32, #tpu.memory_space<vmem>>
        %dma_start3A_433 = arith.constant 0 : i32
        %dma_start3A_434 = arith.constant 0 : i32
        %dma_start3A_435 = tpu.memref_slice %arg2[%dma_start3A_433, %dma_start3A_434] : memref<1000000x128xf32, #tpu.memory_space<hbm>> -> memref<1000000x128xf32, #tpu.memory_space<hbm>>
        tpu.enqueue_indirect_dma source(%dma_start3A_435 : memref<1000000x128xf32, #tpu.memory_space<hbm>>) target(%arg9 : memref<50x128xf32, #tpu.memory_space<vmem>>) offsets(%dma_start3A_432 : memref<50xi32, #tpu.memory_space<vmem>>) semaphore(%arg18 : memref<!tpu.dma_semaphore, #tpu.memory_space<semaphore_mem>>)
      } else {
      }
      %dma_wait3A_261 = arith.constant 0 : i32
      %dma_wait3A_262 = tpu.memref_slice %arg5[%add3A_251, %dma_wait3A_261] : memref<512x50xi32, #tpu.memory_space<vmem>> -> memref<1x50xi32, #tpu.memory_space<vmem>>
      %dma_wait3A_263 = tpu.memref_squeeze %dma_wait3A_262 : memref<1x50xi32, #tpu.memory_space<vmem>> -> memref<50xi32, #tpu.memory_space<vmem>>
      %dma_wait3A_264 = arith.constant 0 : i32
      %dma_wait3A_265 = arith.constant 0 : i32
      %dma_wait3A_266 = tpu.memref_slice %arg2[%dma_wait3A_264, %dma_wait3A_265] : memref<1000000x128xf32, #tpu.memory_space<hbm>> -> memref<1000000x128xf32, #tpu.memory_space<hbm>>
      tpu.wait_indirect_dma semaphore(%arg19 : memref<!tpu.dma_semaphore, #tpu.memory_space<semaphore_mem>>) src(%dma_wait3A_266 : memref<1000000x128xf32, #tpu.memory_space<hbm>>) dst(%arg10 : memref<50x128xf32, #tpu.memory_space<vmem>>)
      %parallel_loop3A_267 = arith.constant 0 : i32
      %parallel_loop3A_268 = arith.constant 50 : i32
      %parallel_loop3A_269 = arith.constant 1 : i32
      %parallel_loop3A_270:8 = scf.for %parallel_loop3A_426 = %parallel_loop3A_267 to %parallel_loop3A_268 step %parallel_loop3A_269 iter_args(%parallel_loop3A_427 = %broadcast_in_dim3A_51, %parallel_loop3A_428 = %broadcast_in_dim3A_51, %parallel_loop3A_429 = %broadcast_in_dim3A_51, %parallel_loop3A_430 = %broadcast_in_dim3A_51, %parallel_loop3A_431 = %broadcast_in_dim3A_51, %parallel_loop3A_432 = %broadcast_in_dim3A_51, %parallel_loop3A_433 = %broadcast_in_dim3A_51, %parallel_loop3A_434 = %broadcast_in_dim3A_51) -> (vector<16xf32>, vector<16xf32>, vector<16xf32>, vector<16xf32>, vector<16xf32>, vector<16xf32>, vector<16xf32>, vector<16xf32>)  : i32 {
        %parallel_loop3A_435 = arith.index_cast %parallel_loop3A_426 : i32 to index
        %parallel_loop3A_436 = arith.constant 0 : index
        %parallel_loop3A_437 = tpu.vector_load %arg10[%parallel_loop3A_435, %parallel_loop3A_436] {strides = array<i32>} : memref<50x128xf32, #tpu.memory_space<vmem>>, vector<1x16xf32>,
        %parallel_loop3A_438 = vector.shape_cast %parallel_loop3A_437 : vector<1x16xf32> to vector<16xf32>
        %parallel_loop3A_439 = arith.addf %parallel_loop3A_427, %parallel_loop3A_438 : vector<16xf32>
        %parallel_loop3A_440 = arith.index_cast %parallel_loop3A_426 : i32 to index
        %parallel_loop3A_441 = arith.constant 16 : index
        %parallel_loop3A_442 = tpu.vector_load %arg10[%parallel_loop3A_440, %parallel_loop3A_441] {strides = array<i32>} : memref<50x128xf32, #tpu.memory_space<vmem>>, vector<1x16xf32>,
        %parallel_loop3A_443 = vector.shape_cast %parallel_loop3A_442 : vector<1x16xf32> to vector<16xf32>
        %parallel_loop3A_444 = arith.addf %parallel_loop3A_428, %parallel_loop3A_443 : vector<16xf32>
        %parallel_loop3A_445 = arith.index_cast %parallel_loop3A_426 : i32 to index
        %parallel_loop3A_446 = arith.constant 32 : index
        %parallel_loop3A_447 = tpu.vector_load %arg10[%parallel_loop3A_445, %parallel_loop3A_446] {strides = array<i32>} : memref<50x128xf32, #tpu.memory_space<vmem>>, vector<1x16xf32>,
        %parallel_loop3A_448 = vector.shape_cast %parallel_loop3A_447 : vector<1x16xf32> to vector<16xf32>
        %parallel_loop3A_449 = arith.addf %parallel_loop3A_429, %parallel_loop3A_448 : vector<16xf32>
        %parallel_loop3A_450 = arith.index_cast %parallel_loop3A_426 : i32 to index
        %parallel_loop3A_451 = arith.constant 48 : index
        %parallel_loop3A_452 = tpu.vector_load %arg10[%parallel_loop3A_450, %parallel_loop3A_451] {strides = array<i32>} : memref<50x128xf32, #tpu.memory_space<vmem>>, vector<1x16xf32>,
        %parallel_loop3A_453 = vector.shape_cast %parallel_loop3A_452 : vector<1x16xf32> to vector<16xf32>
        %parallel_loop3A_454 = arith.addf %parallel_loop3A_430, %parallel_loop3A_453 : vector<16xf32>
        %parallel_loop3A_455 = arith.index_cast %parallel_loop3A_426 : i32 to index
        %parallel_loop3A_456 = arith.constant 64 : index
        %parallel_loop3A_457 = tpu.vector_load %arg10[%parallel_loop3A_455, %parallel_loop3A_456] {strides = array<i32>} : memref<50x128xf32, #tpu.memory_space<vmem>>, vector<1x16xf32>,
        %parallel_loop3A_458 = vector.shape_cast %parallel_loop3A_457 : vector<1x16xf32> to vector<16xf32>
        %parallel_loop3A_459 = arith.addf %parallel_loop3A_431, %parallel_loop3A_458 : vector<16xf32>
        %parallel_loop3A_460 = arith.index_cast %parallel_loop3A_426 : i32 to index
        %parallel_loop3A_461 = arith.constant 80 : index
        %parallel_loop3A_462 = tpu.vector_load %arg10[%parallel_loop3A_460, %parallel_loop3A_461] {strides = array<i32>} : memref<50x128xf32, #tpu.memory_space<vmem>>, vector<1x16xf32>,
        %parallel_loop3A_463 = vector.shape_cast %parallel_loop3A_462 : vector<1x16xf32> to vector<16xf32>
        %parallel_loop3A_464 = arith.addf %parallel_loop3A_432, %parallel_loop3A_463 : vector<16xf32>
        %parallel_loop3A_465 = arith.index_cast %parallel_loop3A_426 : i32 to index
        %parallel_loop3A_466 = arith.constant 96 : index
        %parallel_loop3A_467 = tpu.vector_load %arg10[%parallel_loop3A_465, %parallel_loop3A_466] {strides = array<i32>} : memref<50x128xf32, #tpu.memory_space<vmem>>, vector<1x16xf32>,
        %parallel_loop3A_468 = vector.shape_cast %parallel_loop3A_467 : vector<1x16xf32> to vector<16xf32>
        %parallel_loop3A_469 = arith.addf %parallel_loop3A_433, %parallel_loop3A_468 : vector<16xf32>
        %parallel_loop3A_470 = arith.index_cast %parallel_loop3A_426 : i32 to index
        %parallel_loop3A_471 = arith.constant 112 : index
        %parallel_loop3A_472 = tpu.vector_load %arg10[%parallel_loop3A_470, %parallel_loop3A_471] {strides = array<i32>} : memref<50x128xf32, #tpu.memory_space<vmem>>, vector<1x16xf32>,
        %parallel_loop3A_473 = vector.shape_cast %parallel_loop3A_472 : vector<1x16xf32> to vector<16xf32>
        %parallel_loop3A_474 = arith.addf %parallel_loop3A_434, %parallel_loop3A_473 : vector<16xf32>
        scf.yield %parallel_loop3A_439, %parallel_loop3A_444, %parallel_loop3A_449, %parallel_loop3A_454, %parallel_loop3A_459, %parallel_loop3A_464, %parallel_loop3A_469, %parallel_loop3A_474 : vector<16xf32>, vector<16xf32>, vector<16xf32>, vector<16xf32>, vector<16xf32>, vector<16xf32>, vector<16xf32>, vector<16xf32>
      } {sc.loop_unroll_factor = 2 : i64, sc.parallel_access}
      %add3A_271 = arith.constant 5 : i32
      %add3A_272 = arith.addi %add3A_87, %add3A_271 : i32
      %add3A_273 = arith.constant 8 : i32
      %add3A_274 = arith.addi %add3A_272, %add3A_273 : i32
      %sub3A_275 = arith.constant 1 : i32
      %sub3A_276 = arith.subi %add3A_274, %sub3A_275 : i32
      %lt3A_277 = arith.constant 512 : i32
      %lt3A_278 = arith.cmpi slt, %sub3A_276, %lt3A_277 : i32
      %convert_element_type3A_279 = arith.extui %lt3A_278 : i1 to i32
      %cond3A_280 = arith.constant 0 : i32
      %cond3A_281 = arith.cmpi ne, %convert_element_type3A_279, %cond3A_280 : i32
      scf.if %cond3A_281 {
        %add3A_426 = arith.constant 8 : i32
        %add3A_427 = arith.addi %add3A_272, %add3A_426 : i32
        %sub3A_428 = arith.constant 1 : i32
        %sub3A_429 = arith.subi %add3A_427, %sub3A_428 : i32
        %dma_start3A_430 = arith.constant 0 : i32
        %dma_start3A_431 = tpu.memref_slice %arg5[%sub3A_429, %dma_start3A_430] : memref<512x50xi32, #tpu.memory_space<vmem>> -> memref<1x50xi32, #tpu.memory_space<vmem>>
        %dma_start3A_432 = tpu.memref_squeeze %dma_start3A_431 : memref<1x50xi32, #tpu.memory_space<vmem>> -> memref<50xi32, #tpu.memory_space<vmem>>
        %dma_start3A_433 = arith.constant 0 : i32
        %dma_start3A_434 = arith.constant 0 : i32
        %dma_start3A_435 = tpu.memref_slice %arg2[%dma_start3A_433, %dma_start3A_434] : memref<1000000x128xf32, #tpu.memory_space<hbm>> -> memref<1000000x128xf32, #tpu.memory_space<hbm>>
        tpu.enqueue_indirect_dma source(%dma_start3A_435 : memref<1000000x128xf32, #tpu.memory_space<hbm>>) target(%arg10 : memref<50x128xf32, #tpu.memory_space<vmem>>) offsets(%dma_start3A_432 : memref<50xi32, #tpu.memory_space<vmem>>) semaphore(%arg19 : memref<!tpu.dma_semaphore, #tpu.memory_space<semaphore_mem>>)
      } else {
      }
      %dma_wait3A_282 = arith.constant 0 : i32
      %dma_wait3A_283 = tpu.memref_slice %arg5[%add3A_272, %dma_wait3A_282] : memref<512x50xi32, #tpu.memory_space<vmem>> -> memref<1x50xi32, #tpu.memory_space<vmem>>
      %dma_wait3A_284 = tpu.memref_squeeze %dma_wait3A_283 : memref<1x50xi32, #tpu.memory_space<vmem>> -> memref<50xi32, #tpu.memory_space<vmem>>
      %dma_wait3A_285 = arith.constant 0 : i32
      %dma_wait3A_286 = arith.constant 0 : i32
      %dma_wait3A_287 = tpu.memref_slice %arg2[%dma_wait3A_285, %dma_wait3A_286] : memref<1000000x128xf32, #tpu.memory_space<hbm>> -> memref<1000000x128xf32, #tpu.memory_space<hbm>>
      tpu.wait_indirect_dma semaphore(%arg20 : memref<!tpu.dma_semaphore, #tpu.memory_space<semaphore_mem>>) src(%dma_wait3A_287 : memref<1000000x128xf32, #tpu.memory_space<hbm>>) dst(%arg11 : memref<50x128xf32, #tpu.memory_space<vmem>>)
      %parallel_loop3A_288 = arith.constant 0 : i32
      %parallel_loop3A_289 = arith.constant 50 : i32
      %parallel_loop3A_290 = arith.constant 1 : i32
      %parallel_loop3A_291:8 = scf.for %parallel_loop3A_426 = %parallel_loop3A_288 to %parallel_loop3A_289 step %parallel_loop3A_290 iter_args(%parallel_loop3A_427 = %parallel_loop3A_270#0, %parallel_loop3A_428 = %parallel_loop3A_270#1, %parallel_loop3A_429 = %parallel_loop3A_270#2, %parallel_loop3A_430 = %parallel_loop3A_270#3, %parallel_loop3A_431 = %parallel_loop3A_270#4, %parallel_loop3A_432 = %parallel_loop3A_270#5, %parallel_loop3A_433 = %parallel_loop3A_270#6, %parallel_loop3A_434 = %parallel_loop3A_270#7) -> (vector<16xf32>, vector<16xf32>, vector<16xf32>, vector<16xf32>, vector<16xf32>, vector<16xf32>, vector<16xf32>, vector<16xf32>)  : i32 {
        %parallel_loop3A_435 = arith.index_cast %parallel_loop3A_426 : i32 to index
        %parallel_loop3A_436 = arith.constant 0 : index
        %parallel_loop3A_437 = tpu.vector_load %arg11[%parallel_loop3A_435, %parallel_loop3A_436] {strides = array<i32>} : memref<50x128xf32, #tpu.memory_space<vmem>>, vector<1x16xf32>,
        %parallel_loop3A_438 = vector.shape_cast %parallel_loop3A_437 : vector<1x16xf32> to vector<16xf32>
        %parallel_loop3A_439 = arith.addf %parallel_loop3A_427, %parallel_loop3A_438 : vector<16xf32>
        %parallel_loop3A_440 = arith.index_cast %parallel_loop3A_426 : i32 to index
        %parallel_loop3A_441 = arith.constant 16 : index
        %parallel_loop3A_442 = tpu.vector_load %arg11[%parallel_loop3A_440, %parallel_loop3A_441] {strides = array<i32>} : memref<50x128xf32, #tpu.memory_space<vmem>>, vector<1x16xf32>,
        %parallel_loop3A_443 = vector.shape_cast %parallel_loop3A_442 : vector<1x16xf32> to vector<16xf32>
        %parallel_loop3A_444 = arith.addf %parallel_loop3A_428, %parallel_loop3A_443 : vector<16xf32>
        %parallel_loop3A_445 = arith.index_cast %parallel_loop3A_426 : i32 to index
        %parallel_loop3A_446 = arith.constant 32 : index
        %parallel_loop3A_447 = tpu.vector_load %arg11[%parallel_loop3A_445, %parallel_loop3A_446] {strides = array<i32>} : memref<50x128xf32, #tpu.memory_space<vmem>>, vector<1x16xf32>,
        %parallel_loop3A_448 = vector.shape_cast %parallel_loop3A_447 : vector<1x16xf32> to vector<16xf32>
        %parallel_loop3A_449 = arith.addf %parallel_loop3A_429, %parallel_loop3A_448 : vector<16xf32>
        %parallel_loop3A_450 = arith.index_cast %parallel_loop3A_426 : i32 to index
        %parallel_loop3A_451 = arith.constant 48 : index
        %parallel_loop3A_452 = tpu.vector_load %arg11[%parallel_loop3A_450, %parallel_loop3A_451] {strides = array<i32>} : memref<50x128xf32, #tpu.memory_space<vmem>>, vector<1x16xf32>,
        %parallel_loop3A_453 = vector.shape_cast %parallel_loop3A_452 : vector<1x16xf32> to vector<16xf32>
        %parallel_loop3A_454 = arith.addf %parallel_loop3A_430, %parallel_loop3A_453 : vector<16xf32>
        %parallel_loop3A_455 = arith.index_cast %parallel_loop3A_426 : i32 to index
        %parallel_loop3A_456 = arith.constant 64 : index
        %parallel_loop3A_457 = tpu.vector_load %arg11[%parallel_loop3A_455, %parallel_loop3A_456] {strides = array<i32>} : memref<50x128xf32, #tpu.memory_space<vmem>>, vector<1x16xf32>,
        %parallel_loop3A_458 = vector.shape_cast %parallel_loop3A_457 : vector<1x16xf32> to vector<16xf32>
        %parallel_loop3A_459 = arith.addf %parallel_loop3A_431, %parallel_loop3A_458 : vector<16xf32>
        %parallel_loop3A_460 = arith.index_cast %parallel_loop3A_426 : i32 to index
        %parallel_loop3A_461 = arith.constant 80 : index
        %parallel_loop3A_462 = tpu.vector_load %arg11[%parallel_loop3A_460, %parallel_loop3A_461] {strides = array<i32>} : memref<50x128xf32, #tpu.memory_space<vmem>>, vector<1x16xf32>,
        %parallel_loop3A_463 = vector.shape_cast %parallel_loop3A_462 : vector<1x16xf32> to vector<16xf32>
        %parallel_loop3A_464 = arith.addf %parallel_loop3A_432, %parallel_loop3A_463 : vector<16xf32>
        %parallel_loop3A_465 = arith.index_cast %parallel_loop3A_426 : i32 to index
        %parallel_loop3A_466 = arith.constant 96 : index
        %parallel_loop3A_467 = tpu.vector_load %arg11[%parallel_loop3A_465, %parallel_loop3A_466] {strides = array<i32>} : memref<50x128xf32, #tpu.memory_space<vmem>>, vector<1x16xf32>,
        %parallel_loop3A_468 = vector.shape_cast %parallel_loop3A_467 : vector<1x16xf32> to vector<16xf32>
        %parallel_loop3A_469 = arith.addf %parallel_loop3A_433, %parallel_loop3A_468 : vector<16xf32>
        %parallel_loop3A_470 = arith.index_cast %parallel_loop3A_426 : i32 to index
        %parallel_loop3A_471 = arith.constant 112 : index
        %parallel_loop3A_472 = tpu.vector_load %arg11[%parallel_loop3A_470, %parallel_loop3A_471] {strides = array<i32>} : memref<50x128xf32, #tpu.memory_space<vmem>>, vector<1x16xf32>,
        %parallel_loop3A_473 = vector.shape_cast %parallel_loop3A_472 : vector<1x16xf32> to vector<16xf32>
        %parallel_loop3A_474 = arith.addf %parallel_loop3A_434, %parallel_loop3A_473 : vector<16xf32>
        scf.yield %parallel_loop3A_439, %parallel_loop3A_444, %parallel_loop3A_449, %parallel_loop3A_454, %parallel_loop3A_459, %parallel_loop3A_464, %parallel_loop3A_469, %parallel_loop3A_474 : vector<16xf32>, vector<16xf32>, vector<16xf32>, vector<16xf32>, vector<16xf32>, vector<16xf32>, vector<16xf32>, vector<16xf32>
      } {sc.loop_unroll_factor = 2 : i64, sc.parallel_access}
      %add3A_292 = arith.constant 6 : i32
      %add3A_293 = arith.addi %add3A_87, %add3A_292 : i32
      %add3A_294 = arith.constant 8 : i32
      %add3A_295 = arith.addi %add3A_293, %add3A_294 : i32
      %sub3A_296 = arith.constant 1 : i32
      %sub3A_297 = arith.subi %add3A_295, %sub3A_296 : i32
      %lt3A_298 = arith.constant 512 : i32
      %lt3A_299 = arith.cmpi slt, %sub3A_297, %lt3A_298 : i32
      %convert_element_type3A_300 = arith.extui %lt3A_299 : i1 to i32
      %cond3A_301 = arith.constant 0 : i32
      %cond3A_302 = arith.cmpi ne, %convert_element_type3A_300, %cond3A_301 : i32
      scf.if %cond3A_302 {
        %add3A_426 = arith.constant 8 : i32
        %add3A_427 = arith.addi %add3A_293, %add3A_426 : i32
        %sub3A_428 = arith.constant 1 : i32
        %sub3A_429 = arith.subi %add3A_427, %sub3A_428 : i32
        %dma_start3A_430 = arith.constant 0 : i32
        %dma_start3A_431 = tpu.memref_slice %arg5[%sub3A_429, %dma_start3A_430] : memref<512x50xi32, #tpu.memory_space<vmem>> -> memref<1x50xi32, #tpu.memory_space<vmem>>
        %dma_start3A_432 = tpu.memref_squeeze %dma_start3A_431 : memref<1x50xi32, #tpu.memory_space<vmem>> -> memref<50xi32, #tpu.memory_space<vmem>>
        %dma_start3A_433 = arith.constant 0 : i32
        %dma_start3A_434 = arith.constant 0 : i32
        %dma_start3A_435 = tpu.memref_slice %arg2[%dma_start3A_433, %dma_start3A_434] : memref<1000000x128xf32, #tpu.memory_space<hbm>> -> memref<1000000x128xf32, #tpu.memory_space<hbm>>
        tpu.enqueue_indirect_dma source(%dma_start3A_435 : memref<1000000x128xf32, #tpu.memory_space<hbm>>) target(%arg11 : memref<50x128xf32, #tpu.memory_space<vmem>>) offsets(%dma_start3A_432 : memref<50xi32, #tpu.memory_space<vmem>>) semaphore(%arg20 : memref<!tpu.dma_semaphore, #tpu.memory_space<semaphore_mem>>)
      } else {
      }
      %dma_wait3A_303 = arith.constant 0 : i32
      %dma_wait3A_304 = tpu.memref_slice %arg5[%add3A_293, %dma_wait3A_303] : memref<512x50xi32, #tpu.memory_space<vmem>> -> memref<1x50xi32, #tpu.memory_space<vmem>>
      %dma_wait3A_305 = tpu.memref_squeeze %dma_wait3A_304 : memref<1x50xi32, #tpu.memory_space<vmem>> -> memref<50xi32, #tpu.memory_space<vmem>>
      %dma_wait3A_306 = arith.constant 0 : i32
      %dma_wait3A_307 = arith.constant 0 : i32
      %dma_wait3A_308 = tpu.memref_slice %arg2[%dma_wait3A_306, %dma_wait3A_307] : memref<1000000x128xf32, #tpu.memory_space<hbm>> -> memref<1000000x128xf32, #tpu.memory_space<hbm>>
      tpu.wait_indirect_dma semaphore(%arg21 : memref<!tpu.dma_semaphore, #tpu.memory_space<semaphore_mem>>) src(%dma_wait3A_308 : memref<1000000x128xf32, #tpu.memory_space<hbm>>) dst(%arg12 : memref<50x128xf32, #tpu.memory_space<vmem>>)
      %parallel_loop3A_309 = arith.constant 0 : i32
      %parallel_loop3A_310 = arith.constant 50 : i32
      %parallel_loop3A_311 = arith.constant 1 : i32
      %parallel_loop3A_312:8 = scf.for %parallel_loop3A_426 = %parallel_loop3A_309 to %parallel_loop3A_310 step %parallel_loop3A_311 iter_args(%parallel_loop3A_427 = %parallel_loop3A_291#0, %parallel_loop3A_428 = %parallel_loop3A_291#1, %parallel_loop3A_429 = %parallel_loop3A_291#2, %parallel_loop3A_430 = %parallel_loop3A_291#3, %parallel_loop3A_431 = %parallel_loop3A_291#4, %parallel_loop3A_432 = %parallel_loop3A_291#5, %parallel_loop3A_433 = %parallel_loop3A_291#6, %parallel_loop3A_434 = %parallel_loop3A_291#7) -> (vector<16xf32>, vector<16xf32>, vector<16xf32>, vector<16xf32>, vector<16xf32>, vector<16xf32>, vector<16xf32>, vector<16xf32>)  : i32 {
        %parallel_loop3A_435 = arith.index_cast %parallel_loop3A_426 : i32 to index
        %parallel_loop3A_436 = arith.constant 0 : index
        %parallel_loop3A_437 = tpu.vector_load %arg12[%parallel_loop3A_435, %parallel_loop3A_436] {strides = array<i32>} : memref<50x128xf32, #tpu.memory_space<vmem>>, vector<1x16xf32>,
        %parallel_loop3A_438 = vector.shape_cast %parallel_loop3A_437 : vector<1x16xf32> to vector<16xf32>
        %parallel_loop3A_439 = arith.addf %parallel_loop3A_427, %parallel_loop3A_438 : vector<16xf32>
        %parallel_loop3A_440 = arith.index_cast %parallel_loop3A_426 : i32 to index
        %parallel_loop3A_441 = arith.constant 16 : index
        %parallel_loop3A_442 = tpu.vector_load %arg12[%parallel_loop3A_440, %parallel_loop3A_441] {strides = array<i32>} : memref<50x128xf32, #tpu.memory_space<vmem>>, vector<1x16xf32>,
        %parallel_loop3A_443 = vector.shape_cast %parallel_loop3A_442 : vector<1x16xf32> to vector<16xf32>
        %parallel_loop3A_444 = arith.addf %parallel_loop3A_428, %parallel_loop3A_443 : vector<16xf32>
        %parallel_loop3A_445 = arith.index_cast %parallel_loop3A_426 : i32 to index
        %parallel_loop3A_446 = arith.constant 32 : index
        %parallel_loop3A_447 = tpu.vector_load %arg12[%parallel_loop3A_445, %parallel_loop3A_446] {strides = array<i32>} : memref<50x128xf32, #tpu.memory_space<vmem>>, vector<1x16xf32>,
        %parallel_loop3A_448 = vector.shape_cast %parallel_loop3A_447 : vector<1x16xf32> to vector<16xf32>
        %parallel_loop3A_449 = arith.addf %parallel_loop3A_429, %parallel_loop3A_448 : vector<16xf32>
        %parallel_loop3A_450 = arith.index_cast %parallel_loop3A_426 : i32 to index
        %parallel_loop3A_451 = arith.constant 48 : index
        %parallel_loop3A_452 = tpu.vector_load %arg12[%parallel_loop3A_450, %parallel_loop3A_451] {strides = array<i32>} : memref<50x128xf32, #tpu.memory_space<vmem>>, vector<1x16xf32>,
        %parallel_loop3A_453 = vector.shape_cast %parallel_loop3A_452 : vector<1x16xf32> to vector<16xf32>
        %parallel_loop3A_454 = arith.addf %parallel_loop3A_430, %parallel_loop3A_453 : vector<16xf32>
        %parallel_loop3A_455 = arith.index_cast %parallel_loop3A_426 : i32 to index
        %parallel_loop3A_456 = arith.constant 64 : index
        %parallel_loop3A_457 = tpu.vector_load %arg12[%parallel_loop3A_455, %parallel_loop3A_456] {strides = array<i32>} : memref<50x128xf32, #tpu.memory_space<vmem>>, vector<1x16xf32>,
        %parallel_loop3A_458 = vector.shape_cast %parallel_loop3A_457 : vector<1x16xf32> to vector<16xf32>
        %parallel_loop3A_459 = arith.addf %parallel_loop3A_431, %parallel_loop3A_458 : vector<16xf32>
        %parallel_loop3A_460 = arith.index_cast %parallel_loop3A_426 : i32 to index
        %parallel_loop3A_461 = arith.constant 80 : index
        %parallel_loop3A_462 = tpu.vector_load %arg12[%parallel_loop3A_460, %parallel_loop3A_461] {strides = array<i32>} : memref<50x128xf32, #tpu.memory_space<vmem>>, vector<1x16xf32>,
        %parallel_loop3A_463 = vector.shape_cast %parallel_loop3A_462 : vector<1x16xf32> to vector<16xf32>
        %parallel_loop3A_464 = arith.addf %parallel_loop3A_432, %parallel_loop3A_463 : vector<16xf32>
        %parallel_loop3A_465 = arith.index_cast %parallel_loop3A_426 : i32 to index
        %parallel_loop3A_466 = arith.constant 96 : index
        %parallel_loop3A_467 = tpu.vector_load %arg12[%parallel_loop3A_465, %parallel_loop3A_466] {strides = array<i32>} : memref<50x128xf32, #tpu.memory_space<vmem>>, vector<1x16xf32>,
        %parallel_loop3A_468 = vector.shape_cast %parallel_loop3A_467 : vector<1x16xf32> to vector<16xf32>
        %parallel_loop3A_469 = arith.addf %parallel_loop3A_433, %parallel_loop3A_468 : vector<16xf32>
        %parallel_loop3A_470 = arith.index_cast %parallel_loop3A_426 : i32 to index
        %parallel_loop3A_471 = arith.constant 112 : index
        %parallel_loop3A_472 = tpu.vector_load %arg12[%parallel_loop3A_470, %parallel_loop3A_471] {strides = array<i32>} : memref<50x128xf32, #tpu.memory_space<vmem>>, vector<1x16xf32>,
        %parallel_loop3A_473 = vector.shape_cast %parallel_loop3A_472 : vector<1x16xf32> to vector<16xf32>
        %parallel_loop3A_474 = arith.addf %parallel_loop3A_434, %parallel_loop3A_473 : vector<16xf32>
        scf.yield %parallel_loop3A_439, %parallel_loop3A_444, %parallel_loop3A_449, %parallel_loop3A_454, %parallel_loop3A_459, %parallel_loop3A_464, %parallel_loop3A_469, %parallel_loop3A_474 : vector<16xf32>, vector<16xf32>, vector<16xf32>, vector<16xf32>, vector<16xf32>, vector<16xf32>, vector<16xf32>, vector<16xf32>
      } {sc.loop_unroll_factor = 2 : i64, sc.parallel_access}
      %add3A_313 = arith.constant 7 : i32
      %add3A_314 = arith.addi %add3A_87, %add3A_313 : i32
      %add3A_315 = arith.constant 8 : i32
      %add3A_316 = arith.addi %add3A_314, %add3A_315 : i32
      %sub3A_317 = arith.constant 1 : i32
      %sub3A_318 = arith.subi %add3A_316, %sub3A_317 : i32
      %lt3A_319 = arith.constant 512 : i32
      %lt3A_320 = arith.cmpi slt, %sub3A_318, %lt3A_319 : i32
      %convert_element_type3A_321 = arith.extui %lt3A_320 : i1 to i32
      %cond3A_322 = arith.constant 0 : i32
      %cond3A_323 = arith.cmpi ne, %convert_element_type3A_321, %cond3A_322 : i32
      scf.if %cond3A_323 {
        %add3A_426 = arith.constant 8 : i32
        %add3A_427 = arith.addi %add3A_314, %add3A_426 : i32
        %sub3A_428 = arith.constant 1 : i32
        %sub3A_429 = arith.subi %add3A_427, %sub3A_428 : i32
        %dma_start3A_430 = arith.constant 0 : i32
        %dma_start3A_431 = tpu.memref_slice %arg5[%sub3A_429, %dma_start3A_430] : memref<512x50xi32, #tpu.memory_space<vmem>> -> memref<1x50xi32, #tpu.memory_space<vmem>>
        %dma_start3A_432 = tpu.memref_squeeze %dma_start3A_431 : memref<1x50xi32, #tpu.memory_space<vmem>> -> memref<50xi32, #tpu.memory_space<vmem>>
        %dma_start3A_433 = arith.constant 0 : i32
        %dma_start3A_434 = arith.constant 0 : i32
        %dma_start3A_435 = tpu.memref_slice %arg2[%dma_start3A_433, %dma_start3A_434] : memref<1000000x128xf32, #tpu.memory_space<hbm>> -> memref<1000000x128xf32, #tpu.memory_space<hbm>>
        tpu.enqueue_indirect_dma source(%dma_start3A_435 : memref<1000000x128xf32, #tpu.memory_space<hbm>>) target(%arg12 : memref<50x128xf32, #tpu.memory_space<vmem>>) offsets(%dma_start3A_432 : memref<50xi32, #tpu.memory_space<vmem>>) semaphore(%arg21 : memref<!tpu.dma_semaphore, #tpu.memory_space<semaphore_mem>>)
      } else {
      }
      %dma_wait3A_324 = arith.constant 0 : i32
      %dma_wait3A_325 = tpu.memref_slice %arg5[%add3A_314, %dma_wait3A_324] : memref<512x50xi32, #tpu.memory_space<vmem>> -> memref<1x50xi32, #tpu.memory_space<vmem>>
      %dma_wait3A_326 = tpu.memref_squeeze %dma_wait3A_325 : memref<1x50xi32, #tpu.memory_space<vmem>> -> memref<50xi32, #tpu.memory_space<vmem>>
      %dma_wait3A_327 = arith.constant 0 : i32
      %dma_wait3A_328 = arith.constant 0 : i32
      %dma_wait3A_329 = tpu.memref_slice %arg2[%dma_wait3A_327, %dma_wait3A_328] : memref<1000000x128xf32, #tpu.memory_space<hbm>> -> memref<1000000x128xf32, #tpu.memory_space<hbm>>
      tpu.wait_indirect_dma semaphore(%arg22 : memref<!tpu.dma_semaphore, #tpu.memory_space<semaphore_mem>>) src(%dma_wait3A_329 : memref<1000000x128xf32, #tpu.memory_space<hbm>>) dst(%arg13 : memref<50x128xf32, #tpu.memory_space<vmem>>)
      %parallel_loop3A_330 = arith.constant 0 : i32
      %parallel_loop3A_331 = arith.constant 50 : i32
      %parallel_loop3A_332 = arith.constant 1 : i32
      %parallel_loop3A_333:8 = scf.for %parallel_loop3A_426 = %parallel_loop3A_330 to %parallel_loop3A_331 step %parallel_loop3A_332 iter_args(%parallel_loop3A_427 = %parallel_loop3A_312#0, %parallel_loop3A_428 = %parallel_loop3A_312#1, %parallel_loop3A_429 = %parallel_loop3A_312#2, %parallel_loop3A_430 = %parallel_loop3A_312#3, %parallel_loop3A_431 = %parallel_loop3A_312#4, %parallel_loop3A_432 = %parallel_loop3A_312#5, %parallel_loop3A_433 = %parallel_loop3A_312#6, %parallel_loop3A_434 = %parallel_loop3A_312#7) -> (vector<16xf32>, vector<16xf32>, vector<16xf32>, vector<16xf32>, vector<16xf32>, vector<16xf32>, vector<16xf32>, vector<16xf32>)  : i32 {
        %parallel_loop3A_435 = arith.index_cast %parallel_loop3A_426 : i32 to index
        %parallel_loop3A_436 = arith.constant 0 : index
        %parallel_loop3A_437 = tpu.vector_load %arg13[%parallel_loop3A_435, %parallel_loop3A_436] {strides = array<i32>} : memref<50x128xf32, #tpu.memory_space<vmem>>, vector<1x16xf32>,
        %parallel_loop3A_438 = vector.shape_cast %parallel_loop3A_437 : vector<1x16xf32> to vector<16xf32>
        %parallel_loop3A_439 = arith.addf %parallel_loop3A_427, %parallel_loop3A_438 : vector<16xf32>
        %parallel_loop3A_440 = arith.index_cast %parallel_loop3A_426 : i32 to index
        %parallel_loop3A_441 = arith.constant 16 : index
        %parallel_loop3A_442 = tpu.vector_load %arg13[%parallel_loop3A_440, %parallel_loop3A_441] {strides = array<i32>} : memref<50x128xf32, #tpu.memory_space<vmem>>, vector<1x16xf32>,
        %parallel_loop3A_443 = vector.shape_cast %parallel_loop3A_442 : vector<1x16xf32> to vector<16xf32>
        %parallel_loop3A_444 = arith.addf %parallel_loop3A_428, %parallel_loop3A_443 : vector<16xf32>
        %parallel_loop3A_445 = arith.index_cast %parallel_loop3A_426 : i32 to index
        %parallel_loop3A_446 = arith.constant 32 : index
        %parallel_loop3A_447 = tpu.vector_load %arg13[%parallel_loop3A_445, %parallel_loop3A_446] {strides = array<i32>} : memref<50x128xf32, #tpu.memory_space<vmem>>, vector<1x16xf32>,
        %parallel_loop3A_448 = vector.shape_cast %parallel_loop3A_447 : vector<1x16xf32> to vector<16xf32>
        %parallel_loop3A_449 = arith.addf %parallel_loop3A_429, %parallel_loop3A_448 : vector<16xf32>
        %parallel_loop3A_450 = arith.index_cast %parallel_loop3A_426 : i32 to index
        %parallel_loop3A_451 = arith.constant 48 : index
        %parallel_loop3A_452 = tpu.vector_load %arg13[%parallel_loop3A_450, %parallel_loop3A_451] {strides = array<i32>} : memref<50x128xf32, #tpu.memory_space<vmem>>, vector<1x16xf32>,
        %parallel_loop3A_453 = vector.shape_cast %parallel_loop3A_452 : vector<1x16xf32> to vector<16xf32>
        %parallel_loop3A_454 = arith.addf %parallel_loop3A_430, %parallel_loop3A_453 : vector<16xf32>
        %parallel_loop3A_455 = arith.index_cast %parallel_loop3A_426 : i32 to index
        %parallel_loop3A_456 = arith.constant 64 : index
        %parallel_loop3A_457 = tpu.vector_load %arg13[%parallel_loop3A_455, %parallel_loop3A_456] {strides = array<i32>} : memref<50x128xf32, #tpu.memory_space<vmem>>, vector<1x16xf32>,
        %parallel_loop3A_458 = vector.shape_cast %parallel_loop3A_457 : vector<1x16xf32> to vector<16xf32>
        %parallel_loop3A_459 = arith.addf %parallel_loop3A_431, %parallel_loop3A_458 : vector<16xf32>
        %parallel_loop3A_460 = arith.index_cast %parallel_loop3A_426 : i32 to index
        %parallel_loop3A_461 = arith.constant 80 : index
        %parallel_loop3A_462 = tpu.vector_load %arg13[%parallel_loop3A_460, %parallel_loop3A_461] {strides = array<i32>} : memref<50x128xf32, #tpu.memory_space<vmem>>, vector<1x16xf32>,
        %parallel_loop3A_463 = vector.shape_cast %parallel_loop3A_462 : vector<1x16xf32> to vector<16xf32>
        %parallel_loop3A_464 = arith.addf %parallel_loop3A_432, %parallel_loop3A_463 : vector<16xf32>
        %parallel_loop3A_465 = arith.index_cast %parallel_loop3A_426 : i32 to index
        %parallel_loop3A_466 = arith.constant 96 : index
        %parallel_loop3A_467 = tpu.vector_load %arg13[%parallel_loop3A_465, %parallel_loop3A_466] {strides = array<i32>} : memref<50x128xf32, #tpu.memory_space<vmem>>, vector<1x16xf32>,
        %parallel_loop3A_468 = vector.shape_cast %parallel_loop3A_467 : vector<1x16xf32> to vector<16xf32>
        %parallel_loop3A_469 = arith.addf %parallel_loop3A_433, %parallel_loop3A_468 : vector<16xf32>
        %parallel_loop3A_470 = arith.index_cast %parallel_loop3A_426 : i32 to index
        %parallel_loop3A_471 = arith.constant 112 : index
        %parallel_loop3A_472 = tpu.vector_load %arg13[%parallel_loop3A_470, %parallel_loop3A_471] {strides = array<i32>} : memref<50x128xf32, #tpu.memory_space<vmem>>, vector<1x16xf32>,
        %parallel_loop3A_473 = vector.shape_cast %parallel_loop3A_472 : vector<1x16xf32> to vector<16xf32>
        %parallel_loop3A_474 = arith.addf %parallel_loop3A_434, %parallel_loop3A_473 : vector<16xf32>
        scf.yield %parallel_loop3A_439, %parallel_loop3A_444, %parallel_loop3A_449, %parallel_loop3A_454, %parallel_loop3A_459, %parallel_loop3A_464, %parallel_loop3A_469, %parallel_loop3A_474 : vector<16xf32>, vector<16xf32>, vector<16xf32>, vector<16xf32>, vector<16xf32>, vector<16xf32>, vector<16xf32>, vector<16xf32>
      } {sc.loop_unroll_factor = 2 : i64, sc.parallel_access}
      %add3A_334 = arith.constant 7 : i32
      %add3A_335 = arith.addi %add3A_87, %add3A_334 : i32
      %jit3A_336 = arith.constant 4 : i32
      %div3A_337 = arith.divsi %add3A_335, %jit3A_336 : i32
      %sign3A_338 = arith.constant 0 : i32
      %sign3A_339 = arith.cmpi sgt, %add3A_335, %sign3A_338 : i32
      %sign3A_340 = arith.extui %sign3A_339 : i1 to i32
      %sign3A_341 = arith.constant 0 : i32
      %sign3A_342 = arith.cmpi slt, %add3A_335, %sign3A_341 : i32
      %sign3A_343 = arith.extui %sign3A_342 : i1 to i32
      %sign3A_344 = arith.subi %sign3A_340, %sign3A_343 : i32
      %sign3A_345 = arith.constant 0 : i32
      %sign3A_346 = arith.cmpi sgt, %jit3A_336, %sign3A_345 : i32
      %sign3A_347 = arith.extui %sign3A_346 : i1 to i32
      %sign3A_348 = arith.constant 0 : i32
      %sign3A_349 = arith.cmpi slt, %jit3A_336, %sign3A_348 : i32
      %sign3A_350 = arith.extui %sign3A_349 : i1 to i32
      %sign3A_351 = arith.subi %sign3A_347, %sign3A_350 : i32
      %ne3A_352 = arith.cmpi ne, %sign3A_344, %sign3A_351 : i32
      %rem3A_353 = arith.remsi %add3A_335, %jit3A_336 : i32
      %ne3A_354 = arith.constant 0 : i32
      %ne3A_355 = arith.cmpi ne, %rem3A_353, %ne3A_354 : i32
      %and3A_356 = arith.andi %ne3A_352, %ne3A_355 : i1
      %sub3A_357 = arith.constant 1 : i32
      %sub3A_358 = arith.subi %div3A_337, %sub3A_357 : i32
      %select_n3A_359 = arith.select %and3A_356, %sub3A_358, %div3A_337 : i32
      %ge3A_360 = arith.constant 2 : i32
      %ge3A_361 = arith.cmpi sge, %select_n3A_359, %ge3A_360 : i32
      %convert_element_type3A_362 = arith.extui %ge3A_361 : i1 to i32
      %cond3A_363 = arith.constant 0 : i32
      %cond3A_364 = arith.cmpi ne, %convert_element_type3A_362, %cond3A_363 : i32
      scf.if %cond3A_364 {
        %mul3A_426 = arith.constant 128 : i32
        %mul3A_427 = arith.muli %add3A, %mul3A_426 : i32
        %add3A_428 = arith.addi %mul3A_427, %select_n3A_359 : i32
        %sub3A_429 = arith.constant 2 : i32
        %sub3A_430 = arith.subi %add3A_428, %sub3A_429 : i32
        %dma_wait3A_431 = arith.constant 1 : i32
        %dma_wait3A_432 = arith.constant 0 : i32
        %dma_wait3A_433 = tpu.memref_slice %arg14[%dma_wait3A_431, %dma_wait3A_432] : memref<2x128xf32, #tpu.memory_space<vmem>> -> memref<1x128xf32, #tpu.memory_space<vmem>>
        %dma_wait3A_434 = arith.constant 0 : i32
        %dma_wait3A_435 = tpu.memref_slice %arg4[%sub3A_430, %dma_wait3A_434] : memref<4096x128xf32, #tpu.memory_space<hbm>> -> memref<1x128xf32, #tpu.memory_space<hbm>>
        %dma_wait3A_436 = arith.constant 0 : i32
        %dma_wait3A_437 = tpu.memref_slice %arg4[%sub3A_430, %dma_wait3A_436] : memref<4096x128xf32, #tpu.memory_space<hbm>> -> memref<1x128xf32, #tpu.memory_space<hbm>>
        %dma_wait3A_438 = arith.constant 1 : i32
        %dma_wait3A_439 = arith.constant 0 : i32
        %dma_wait3A_440 = tpu.memref_slice %arg14[%dma_wait3A_438, %dma_wait3A_439] : memref<2x128xf32, #tpu.memory_space<vmem>> -> memref<1x128xf32, #tpu.memory_space<vmem>>
        tpu.wait_dma2 semaphore(%arg24 : memref<!tpu.dma_semaphore, #tpu.memory_space<semaphore_mem>>) src(%dma_wait3A_440 : memref<1x128xf32, #tpu.memory_space<vmem>>) dst(%dma_wait3A_437 : memref<1x128xf32, #tpu.memory_space<hbm>>)
      } else {
      }
      %swap3A_365 = arith.constant 1 : i32
      %swap3A_366 = arith.index_cast %swap3A_365 : i32 to index
      %swap3A_367 = arith.constant 0 : index
      %swap3A_368 = tpu.vector_load %arg14[%swap3A_366, %swap3A_367] {strides = array<i32>} : memref<2x128xf32, #tpu.memory_space<vmem>>, vector<1x16xf32>,
      %swap3A_369 = vector.shape_cast %swap3A_368 : vector<1x16xf32> to vector<16xf32>
      %swap3A_370 = vector.shape_cast %parallel_loop3A_333#0 : vector<16xf32> to vector<1x16xf32>
      tpu.vector_store %arg14[%swap3A_366, %swap3A_367], %swap3A_370 {strides = array<i32>} : memref<2x128xf32, #tpu.memory_space<vmem>>, vector<1x16xf32>,
      %swap3A_371 = arith.constant 1 : i32
      %swap3A_372 = arith.index_cast %swap3A_371 : i32 to index
      %swap3A_373 = arith.constant 16 : index
      %swap3A_374 = tpu.vector_load %arg14[%swap3A_372, %swap3A_373] {strides = array<i32>} : memref<2x128xf32, #tpu.memory_space<vmem>>, vector<1x16xf32>,
      %swap3A_375 = vector.shape_cast %swap3A_374 : vector<1x16xf32> to vector<16xf32>
      %swap3A_376 = vector.shape_cast %parallel_loop3A_333#1 : vector<16xf32> to vector<1x16xf32>
      tpu.vector_store %arg14[%swap3A_372, %swap3A_373], %swap3A_376 {strides = array<i32>} : memref<2x128xf32, #tpu.memory_space<vmem>>, vector<1x16xf32>,
      %swap3A_377 = arith.constant 1 : i32
      %swap3A_378 = arith.index_cast %swap3A_377 : i32 to index
      %swap3A_379 = arith.constant 32 : index
      %swap3A_380 = tpu.vector_load %arg14[%swap3A_378, %swap3A_379] {strides = array<i32>} : memref<2x128xf32, #tpu.memory_space<vmem>>, vector<1x16xf32>,
      %swap3A_381 = vector.shape_cast %swap3A_380 : vector<1x16xf32> to vector<16xf32>
      %swap3A_382 = vector.shape_cast %parallel_loop3A_333#2 : vector<16xf32> to vector<1x16xf32>
      tpu.vector_store %arg14[%swap3A_378, %swap3A_379], %swap3A_382 {strides = array<i32>} : memref<2x128xf32, #tpu.memory_space<vmem>>, vector<1x16xf32>,
      %swap3A_383 = arith.constant 1 : i32
      %swap3A_384 = arith.index_cast %swap3A_383 : i32 to index
      %swap3A_385 = arith.constant 48 : index
      %swap3A_386 = tpu.vector_load %arg14[%swap3A_384, %swap3A_385] {strides = array<i32>} : memref<2x128xf32, #tpu.memory_space<vmem>>, vector<1x16xf32>,
      %swap3A_387 = vector.shape_cast %swap3A_386 : vector<1x16xf32> to vector<16xf32>
      %swap3A_388 = vector.shape_cast %parallel_loop3A_333#3 : vector<16xf32> to vector<1x16xf32>
      tpu.vector_store %arg14[%swap3A_384, %swap3A_385], %swap3A_388 {strides = array<i32>} : memref<2x128xf32, #tpu.memory_space<vmem>>, vector<1x16xf32>,
      %swap3A_389 = arith.constant 1 : i32
      %swap3A_390 = arith.index_cast %swap3A_389 : i32 to index
      %swap3A_391 = arith.constant 64 : index
      %swap3A_392 = tpu.vector_load %arg14[%swap3A_390, %swap3A_391] {strides = array<i32>} : memref<2x128xf32, #tpu.memory_space<vmem>>, vector<1x16xf32>,
      %swap3A_393 = vector.shape_cast %swap3A_392 : vector<1x16xf32> to vector<16xf32>
      %swap3A_394 = vector.shape_cast %parallel_loop3A_333#4 : vector<16xf32> to vector<1x16xf32>
      tpu.vector_store %arg14[%swap3A_390, %swap3A_391], %swap3A_394 {strides = array<i32>} : memref<2x128xf32, #tpu.memory_space<vmem>>, vector<1x16xf32>,
      %swap3A_395 = arith.constant 1 : i32
      %swap3A_396 = arith.index_cast %swap3A_395 : i32 to index
      %swap3A_397 = arith.constant 80 : index
      %swap3A_398 = tpu.vector_load %arg14[%swap3A_396, %swap3A_397] {strides = array<i32>} : memref<2x128xf32, #tpu.memory_space<vmem>>, vector<1x16xf32>,
      %swap3A_399 = vector.shape_cast %swap3A_398 : vector<1x16xf32> to vector<16xf32>
      %swap3A_400 = vector.shape_cast %parallel_loop3A_333#5 : vector<16xf32> to vector<1x16xf32>
      tpu.vector_store %arg14[%swap3A_396, %swap3A_397], %swap3A_400 {strides = array<i32>} : memref<2x128xf32, #tpu.memory_space<vmem>>, vector<1x16xf32>,
      %swap3A_401 = arith.constant 1 : i32
      %swap3A_402 = arith.index_cast %swap3A_401 : i32 to index
      %swap3A_403 = arith.constant 96 : index
      %swap3A_404 = tpu.vector_load %arg14[%swap3A_402, %swap3A_403] {strides = array<i32>} : memref<2x128xf32, #tpu.memory_space<vmem>>, vector<1x16xf32>,
      %swap3A_405 = vector.shape_cast %swap3A_404 : vector<1x16xf32> to vector<16xf32>
      %swap3A_406 = vector.shape_cast %parallel_loop3A_333#6 : vector<16xf32> to vector<1x16xf32>
      tpu.vector_store %arg14[%swap3A_402, %swap3A_403], %swap3A_406 {strides = array<i32>} : memref<2x128xf32, #tpu.memory_space<vmem>>, vector<1x16xf32>,
      %swap3A_407 = arith.constant 1 : i32
      %swap3A_408 = arith.index_cast %swap3A_407 : i32 to index
      %swap3A_409 = arith.constant 112 : index
      %swap3A_410 = tpu.vector_load %arg14[%swap3A_408, %swap3A_409] {strides = array<i32>} : memref<2x128xf32, #tpu.memory_space<vmem>>, vector<1x16xf32>,
      %swap3A_411 = vector.shape_cast %swap3A_410 : vector<1x16xf32> to vector<16xf32>
      %swap3A_412 = vector.shape_cast %parallel_loop3A_333#7 : vector<16xf32> to vector<1x16xf32>
      tpu.vector_store %arg14[%swap3A_408, %swap3A_409], %swap3A_412 {strides = array<i32>} : memref<2x128xf32, #tpu.memory_space<vmem>>, vector<1x16xf32>,
      %mul3A_413 = arith.constant 128 : i32
      %mul3A_414 = arith.muli %add3A, %mul3A_413 : i32
      %add3A_415 = arith.addi %mul3A_414, %select_n3A_359 : i32
      %dma_start3A_416 = arith.constant 1 : i32
      %dma_start3A_417 = arith.constant 0 : i32
      %dma_start3A_418 = tpu.memref_slice %arg14[%dma_start3A_416, %dma_start3A_417] : memref<2x128xf32, #tpu.memory_space<vmem>> -> memref<1x128xf32, #tpu.memory_space<vmem>>
      %dma_start3A_419 = arith.constant 0 : i32
      %dma_start3A_420 = tpu.memref_slice %arg4[%add3A_415, %dma_start3A_419] : memref<4096x128xf32, #tpu.memory_space<hbm>> -> memref<1x128xf32, #tpu.memory_space<hbm>>
      %dma_start3A_421 = arith.constant 0 : i32
      %dma_start3A_422 = tpu.memref_slice %arg4[%add3A_415, %dma_start3A_421] : memref<4096x128xf32, #tpu.memory_space<hbm>> -> memref<1x128xf32, #tpu.memory_space<hbm>>
      %dma_start3A_423 = arith.constant 1 : i32
      %dma_start3A_424 = arith.constant 0 : i32
      %dma_start3A_425 = tpu.memref_slice %arg14[%dma_start3A_423, %dma_start3A_424] : memref<2x128xf32, #tpu.memory_space<vmem>> -> memref<1x128xf32, #tpu.memory_space<vmem>>
      tpu.enqueue_dma source(%dma_start3A_425 : memref<1x128xf32, #tpu.memory_space<vmem>>) target(%dma_start3A_422 : memref<1x128xf32, #tpu.memory_space<hbm>>) target_semaphore(%arg24 : memref<!tpu.dma_semaphore, #tpu.memory_space<semaphore_mem>>)
    }
    %scan3A_55 = arith.constant 64 : i32
    %mul3A_56 = arith.constant 128 : i32
    %mul3A_57 = arith.muli %add3A, %mul3A_56 : i32
    %add3A_58 = arith.constant 126 : i32
    %add3A_59 = arith.addi %mul3A_57, %add3A_58 : i32
    %dma_wait3A = arith.constant 0 : i32
    %dma_wait3A_60 = arith.constant 0 : i32
    %dma_wait3A_61 = tpu.memref_slice %arg14[%dma_wait3A, %dma_wait3A_60] : memref<2x128xf32, #tpu.memory_space<vmem>> -> memref<1x128xf32, #tpu.memory_space<vmem>>
    %dma_wait3A_62 = arith.constant 0 : i32
    %dma_wait3A_63 = tpu.memref_slice %arg4[%add3A_59, %dma_wait3A_62] : memref<4096x128xf32, #tpu.memory_space<hbm>> -> memref<1x128xf32, #tpu.memory_space<hbm>>
    %dma_wait3A_64 = arith.constant 0 : i32
    %dma_wait3A_65 = tpu.memref_slice %arg4[%add3A_59, %dma_wait3A_64] : memref<4096x128xf32, #tpu.memory_space<hbm>> -> memref<1x128xf32, #tpu.memory_space<hbm>>
    %dma_wait3A_66 = arith.constant 0 : i32
    %dma_wait3A_67 = arith.constant 0 : i32
    %dma_wait3A_68 = tpu.memref_slice %arg14[%dma_wait3A_66, %dma_wait3A_67] : memref<2x128xf32, #tpu.memory_space<vmem>> -> memref<1x128xf32, #tpu.memory_space<vmem>>
    tpu.wait_dma2 semaphore(%arg23 : memref<!tpu.dma_semaphore, #tpu.memory_space<semaphore_mem>>) src(%dma_wait3A_68 : memref<1x128xf32, #tpu.memory_space<vmem>>) dst(%dma_wait3A_65 : memref<1x128xf32, #tpu.memory_space<hbm>>)
    %mul3A_69 = arith.constant 128 : i32
    %mul3A_70 = arith.muli %add3A, %mul3A_69 : i32
    %add3A_71 = arith.constant 127 : i32
    %add3A_72 = arith.addi %mul3A_70, %add3A_71 : i32
    %dma_wait3A_73 = arith.constant 1 : i32
    %dma_wait3A_74 = arith.constant 0 : i32
    %dma_wait3A_75 = tpu.memref_slice %arg14[%dma_wait3A_73, %dma_wait3A_74] : memref<2x128xf32, #tpu.memory_space<vmem>> -> memref<1x128xf32, #tpu.memory_space<vmem>>
    %dma_wait3A_76 = arith.constant 0 : i32
    %dma_wait3A_77 = tpu.memref_slice %arg4[%add3A_72, %dma_wait3A_76] : memref<4096x128xf32, #tpu.memory_space<hbm>> -> memref<1x128xf32, #tpu.memory_space<hbm>>
    %dma_wait3A_78 = arith.constant 0 : i32
    %dma_wait3A_79 = tpu.memref_slice %arg4[%add3A_72, %dma_wait3A_78] : memref<4096x128xf32, #tpu.memory_space<hbm>> -> memref<1x128xf32, #tpu.memory_space<hbm>>
    %dma_wait3A_80 = arith.constant 1 : i32
    %dma_wait3A_81 = arith.constant 0 : i32
    %dma_wait3A_82 = tpu.memref_slice %arg14[%dma_wait3A_80, %dma_wait3A_81] : memref<2x128xf32, #tpu.memory_space<vmem>> -> memref<1x128xf32, #tpu.memory_space<vmem>>
    tpu.wait_dma2 semaphore(%arg24 : memref<!tpu.dma_semaphore, #tpu.memory_space<semaphore_mem>>) src(%dma_wait3A_82 : memref<1x128xf32, #tpu.memory_space<vmem>>) dst(%dma_wait3A_79 : memref<1x128xf32, #tpu.memory_space<hbm>>)
    return
  }
}

module attributes {stable_mosaic.version = 14 : i64} {
  func.func @tc_body(%arg0: memref<4096x200xi32, #tpu.memory_space<vmem>>, %arg1: memref<4096x128xf32, #tpu.memory_space<vmem>>, %arg2: memref<128x128xf32, #tpu.memory_space<vmem>>, %arg3: memref<1x128xf32, #tpu.memory_space<vmem>>, %arg4: memref<4096x128xf32, #tpu.memory_space<vmem>>) attributes {dimension_semantics = [], scalar_prefetch = 0 : i64, scratch_operands = 0 : i64, tpu.core_type = #tpu.core_type<tc>} {
    %get3A = arith.constant 0 : index
    %get3A_0 = arith.constant 0 : index
    %get3A_1 = vector.load %arg0[%get3A, %get3A_0] : memref<4096x200xi32, #tpu.memory_space<vmem>>, vector<4096x200xi32>
    %ne3A = arith.constant 0 : i32
    %ne3A_2 = vector.broadcast %ne3A : i32 to vector<4096x200xi32>
    %ne3A_3 = arith.cmpi ne, %get3A_1, %ne3A_2 : vector<4096x200xi32>
    %convert_element_type3A = arith.extui %ne3A_3 : vector<4096x200xi1> to vector<4096x200xi32>
    %convert_element_type3A_4 = arith.sitofp %convert_element_type3A : vector<4096x200xi32> to vector<4096x200xf32>
    %reduce_sum3A = arith.constant dense<0.000000e+00> : vector<4096xf32>
    %reduce_sum3A_5 = vector.multi_reduction <add>, %convert_element_type3A_4, %reduce_sum3A [1] : vector<4096x200xf32> to vector<4096xf32>
    %broadcast_in_dim3A = vector.shape_cast %reduce_sum3A_5 : vector<4096xf32> to vector<4096x1xf32>
    %get3A_6 = arith.constant 0 : index
    %get3A_7 = arith.constant 0 : index
    %get3A_8 = vector.load %arg1[%get3A_6, %get3A_7] : memref<4096x128xf32, #tpu.memory_space<vmem>>, vector<4096x128xf32>
    %max3A = arith.constant 1.000000e+00 : f32
    %max3A_9 = vector.broadcast %max3A : f32 to vector<4096x1xf32>
    %max3A_10 = arith.maximumf %broadcast_in_dim3A, %max3A_9 : vector<4096x1xf32>
    %div3A = vector.broadcast %max3A_10 : vector<4096x1xf32> to vector<4096x128xf32>
    %div3A_11 = arith.divf %get3A_8, %div3A : vector<4096x128xf32>
    %max3A_12 = arith.constant 0.000000e+00 : f32
    %max3A_13 = vector.broadcast %max3A_12 : f32 to vector<4096x128xf32>
    %max3A_14 = arith.maximumf %div3A_11, %max3A_13 : vector<4096x128xf32>
    %get3A_15 = arith.constant 0 : index
    %get3A_16 = arith.constant 0 : index
    %get3A_17 = vector.load %arg2[%get3A_15, %get3A_16] : memref<128x128xf32, #tpu.memory_space<vmem>>, vector<128x128xf32>
    %dot_general3A = arith.constant dense<0.000000e+00> : vector<4096x128xf32>
    %dot_general3A_18 = tpu.matmul %max3A_14, %get3A_17, %dot_general3A {dimension_numbers = #tpu.dot_dimension_numbers<[1], [1], [0], [0], [0, 0, 1, 0], [], []>, transpose_lhs_hint = false} : vector<4096x128xf32>, vector<128x128xf32>, vector<4096x128xf32> -> vector<4096x128xf32>
    %get3A_19 = arith.constant 0 : index
    %get3A_20 = arith.constant 0 : index
    %get3A_21 = vector.load %arg3[%get3A_19, %get3A_20] : memref<1x128xf32, #tpu.memory_space<vmem>>, vector<1x128xf32>
    %add3A = vector.broadcast %get3A_21 : vector<1x128xf32> to vector<4096x128xf32>
    %add3A_22 = arith.addf %dot_general3A_18, %add3A : vector<4096x128xf32>
    %mul3A = arith.mulf %add3A_22, %add3A_22 : vector<4096x128xf32>
    %reduce_sum3A_23 = arith.constant dense<0.000000e+00> : vector<4096xf32>
    %reduce_sum3A_24 = vector.multi_reduction <add>, %mul3A, %reduce_sum3A_23 [1] : vector<4096x128xf32> to vector<4096xf32>
    %broadcast_in_dim3A_25 = vector.shape_cast %reduce_sum3A_24 : vector<4096xf32> to vector<4096x1xf32>
    %sqrt3A = math.sqrt %broadcast_in_dim3A_25 : vector<4096x1xf32>
    %max3A_26 = arith.constant 9.99999996E-13 : f32
    %max3A_27 = vector.broadcast %max3A_26 : f32 to vector<4096x1xf32>
    %max3A_28 = arith.maximumf %sqrt3A, %max3A_27 : vector<4096x1xf32>
    %div3A_29 = vector.broadcast %max3A_28 : vector<4096x1xf32> to vector<4096x128xf32>
    %div3A_30 = arith.divf %add3A_22, %div3A_29 : vector<4096x128xf32>
    %swap3A = arith.constant 0 : index
    %swap3A_31 = arith.constant 0 : index
    %swap3A_32 = vector.load %arg4[%swap3A, %swap3A_31] : memref<4096x128xf32, #tpu.memory_space<vmem>>, vector<4096x128xf32>
    tpu.vector_store %arg4[%swap3A, %swap3A_31], %div3A_30 {strides = array<i32>} : memref<4096x128xf32, #tpu.memory_space<vmem>>, vector<4096x128xf32>,
    return
  }
}

</mosaic_0001>

<sc_bundles>
// kernel: kernel.4.cloned.1.call-start
scs
__scs_entry_jumppad:
0x0: {  	(pc) =	sbr.rel $0x88, $3  }
0x1: {  	(tag) =	ssettag $0x0;
	lr =	simm.s32 $0x1  }
0x2: {  	[smem:$0x3F9D] =	sst lr;
	_ =	strace $0xD0000000  }
0x3: {  	_ = 	snop  }
0x4: {  	_ = 	snop  }
0x5: {  	_ = 	snop  }
0x6: {  	_ = 	snop  }
0x7: {  	_ = 	snop  }
__scs_overlays_trampoline_lowered:
0x8: {  	[smem:$0x3FAC] =	sst s0  }
0x9: {  	[smem:$0x3FAD] =	sst s1  }
0xa: {  	[smem:$0x3FAE] =	sst s2  }
0xb: {  	[smem:$0x3FAF] =	sst s3  }
0xc: {  	[smem:$0x3FB0] =	sst s4  }
0xd: {  	[smem:$0x3FB1] =	sst s5  }
0xe: {  	[smem:$0x3FB2] =	sst s6  }
0xf: {  	[smem:$0x3FB3] =	sst s7  }
0x10: {  	[smem:$0x3FB4] =	sst s8  }
0x11: {  	[smem:$0x3FB5] =	sst s9;
	s0 =	simm.s32 @!p0 $0x0  }
0x12: {  	s1 =	sld [smem:$0x3F9B];
	s0 =	simm.s32 @p0 $0x1  }
0x13: {  	[smem:$0x3FB6] =	sst s0;
	s0 =	simm.s32 @!p1 $0x0  }
0x14: {  	s2 =	sld [smem:$0x3F9A];
	s0 =	simm.s32 @p1 $0x1  }
0x15: {  	[smem:$0x3FB7] =	sst s0;
	s0 =	simm.s32 @!p2 $0x0  }
0x16: {  	s3 =	sld [smem:$0x3FDB];
	s0 =	simm.s32 @p2 $0x1  }
0x17: {  	s4 =	simm.s32 $0x1BF5;
	[smem:$0x3FB9] =	sst s0  }
0x18: {  	s0 =	sld [smem:$0x3F9C];
	_ =	swait.ge [sflag:s4], $0x0  }
0x19: {  	s7 =	sld [smem:$0x3F9D]  }
0x1a: {  	s8 =	sadd.s32 $0xFFFFE003, lr  }
0x1b: {  	s9 =	sadd.s32 $0xFFFFFEF7, lr;
	s5 =	simm.s32 $0xFFFFFFFF;
	p2 =	slt.u32 s8, $0xFFFFF086  }
0x1c: {  	p1 =	slt.u32 s9, $0xF7A;
	s5 =	simm.s32 @!p2 $0x0  }
0x1d: {  	s5 =	simm.s32 @p1 $0x1;
	p0 =	seq.s32 s7, s2  }
0x1e: {  	s7 =	smul.u32 @!p0 $0xF7A, s2;
	p2 =	seq.s32 @!p0 s5, $0x0  }
0x1f: {  	s9 =	smul.u32 $0xF7A, s1;
	s8 =	simm.s32 @!p0 $0x1BF5;
	p2 =	por !p2, p0  }
0x20: {  	[sflag:s8] =	ssyncset.s32 @!p0 $0xFFFFF086;
	s6 =	sadd.s32 @!p0 s3, s7;
	s7 =	simm.s32 @!p0 $0x108  }
0x21: {  	s3 =	sadd.s32 s3, s9;
	s6 =	sadd.s32 @!p0 $0x88, s6;
	s7 =	simm.s32 @p2 $0x1082  }
0x22: {  	[simem:s7], [sflag:s8] =	dma.local @!p0 [hbm:s6], $0xF7A  }
0x23: {  	s9 =	sor.u32 $0xD0000000, s2;
	s6 =	simm.s32 $0x108;
	_ =	swait.ge @!p0 [sflag:s8], $0x0  }
0x24: {  	s3 =	sadd.s32 $0x88, s3;
	s6 =	simm.s32 @!p1 $0x1082;
	[sflag:s4] =	ssyncset.s32 $0xFFFFF086  }
0x25: {  	[simem:s6], [sflag:s4] =	dma.local [hbm:s3], $0xF7A  }
0x26: {  	[smem:$0x3F9D] =	sst s1;
	(tag) =	ssettag s2;
	_ =	strace s9  }
0x27: {  	s1 =	sld [smem:$0x3FAD]  }
0x28: {  	s2 =	sld [smem:$0x3FAE]  }
0x29: {  	s4 =	sld [smem:$0x3FB0]  }
0x2a: {  	p0 =	seq.s32 s5, $0x0;
	s5 =	sld [smem:$0x3FB1]  }
0x2b: {  	s6 =	sld [smem:$0x3FB2]  }
0x2c: {  	s7 =	sld [smem:$0x3FB3]  }
0x2d: {  	s3 =	simm.s32 $0x108;
	s8 =	sld [smem:$0x3FB4]  }
0x2e: {  	s3 =	simm.s32 @!p0 $0x1082;
	s9 =	sld [smem:$0x3FB5]  }
0x2f: {  	lr =	sadd.s32 s0, s3;
	s0 =	sld [smem:$0x3FAC]  }
0x30: {  	s3 =	sld [smem:$0x3FAF]  }
0x31: {  	[smem:$0x3FB8] =	sst s10  }
0x32: {  	s10 =	sld [smem:$0x3FB6];
	_ =	sdelay $0x3  }
0x33: {  	p0 =	seq.s32 s10, $0x1;
	s10 =	sld [smem:$0x3FB8];
	_ =	sdelay $0x3  }
0x34: {  	[smem:$0x3FB8] =	sst s10  }
0x35: {  	s10 =	sld [smem:$0x3FB7];
	_ =	sdelay $0x3  }
0x36: {  	p1 =	seq.s32 s10, $0x1;
	s10 =	sld [smem:$0x3FB8];
	_ =	sdelay $0x3  }
0x37: {  	[smem:$0x3FB8] =	sst s10  }
0x38: {  	s10 =	sld [smem:$0x3FB9]  }
0x39: {  	_ = 	snop;
	(pc) =	sbr.ind lr, $3  }
0x3a: {  	_ = 	snop  }
0x3b: {  	_ = 	snop  }
0x3c: {  	p2 =	seq.s32 s10, $0x1;
	s10 =	sld [smem:$0x3FB8]  }
0x3d: {  	_ =	shalt  }
0x3e: {  	_ =	shalt  }
0x3f: {  	_ =	shalt  }
0x40: {  	_ =	shalt  }
0x41: {  	_ =	shalt  }
0x42: {  	_ =	shalt  }
0x43: {  	_ =	shalt  }
0x44: {  	_ =	shalt  }
0x45: {  	_ =	shalt  }
0x46: {  	_ =	shalt  }
0x47: {  	_ =	shalt  }
0x48: {  	_ =	shalt  }
0x49: {  	_ =	shalt  }
0x4a: {  	_ =	shalt  }
0x4b: {  	_ =	shalt  }
0x4c: {  	_ =	shalt  }
0x4d: {  	_ =	shalt  }
0x4e: {  	_ =	shalt  }
0x4f: {  	_ =	shalt  }
0x50: {  	_ =	shalt  }
0x51: {  	_ =	shalt  }
0x52: {  	_ =	shalt  }
0x53: {  	_ =	shalt  }
0x54: {  	_ =	shalt  }
0x55: {  	_ =	shalt  }
0x56: {  	_ =	shalt  }
0x57: {  	_ =	shalt  }
0x58: {  	_ =	shalt  }
0x59: {  	_ =	shalt  }
0x5a: {  	_ =	shalt  }
0x5b: {  	_ =	shalt  }
0x5c: {  	_ =	shalt  }
0x5d: {  	_ =	shalt  }
0x5e: {  	_ =	shalt  }
0x5f: {  	_ =	shalt  }
0x60: {  	_ =	shalt  }
0x61: {  	_ =	shalt  }
0x62: {  	_ =	shalt  }
0x63: {  	_ =	shalt  }
0x64: {  	_ =	shalt  }
0x65: {  	_ =	shalt  }
0x66: {  	_ =	shalt  }
0x67: {  	_ =	shalt  }
0x68: {  	_ =	shalt  }
0x69: {  	_ =	shalt  }
0x6a: {  	_ =	shalt  }
0x6b: {  	_ =	shalt  }
0x6c: {  	_ =	shalt  }
0x6d: {  	_ =	shalt  }
0x6e: {  	_ =	shalt  }
0x6f: {  	_ =	shalt  }
0x70: {  	_ =	shalt  }
0x71: {  	_ =	shalt  }
0x72: {  	_ =	shalt  }
0x73: {  	_ =	shalt  }
0x74: {  	_ =	shalt  }
0x75: {  	_ =	shalt  }
0x76: {  	_ =	shalt  }
0x77: {  	_ =	shalt  }
0x78: {  	_ =	shalt  }
0x79: {  	_ =	shalt  }
0x7a: {  	_ =	shalt  }
0x7b: {  	_ =	shalt  }
0x7c: {  	_ =	shalt  }
0x7d: {  	_ =	shalt  }
0x7e: {  	_ =	shalt  }
0x7f: {  	_ =	shalt  }
0x80: {  	_ =	shalt  }
0x81: {  	_ =	shalt  }
0x82: {  	_ =	shalt  }
0x83: {  	_ =	shalt  }
0x84: {  	_ =	shalt  }
0x85: {  	_ =	shalt  }
0x86: {  	_ =	shalt  }
0x87: {  	_ =	shalt  }
.Lfunc_end0:
.L_simem_size_0:
called_computation_lowered:
.L_overlay_start_0:
0x88: {  	s2 =	sld [smem:$0x3FD9]  }
0x89: {  	s3 =	sld [smem:$0x3FFE];
	_ =	sdelay $0x1  }
0x8a: {  	s1 =	srdreg.scid  }
0x8b: {  	s0 =	sand.u32 $0x1, s1  }
0x8c: {  	s17 =	sshll.u32 s0, $0xA;
	s2 =	sadd.s32 s3, s2  }
0x8d: {  	s2 =	sadd.s32 s2, s17  }
0x8e: {  	[smem:$0x3FC4] =	sst s2  }
0x8f: {  	_ = 	snop  }
0x90: {  	s2 =	sld [smem:$0x3FC8]  }
0x91: {  	s18 =	sld [smem:$0x3FD0];
	(tm) =	ssettm $0x1  }
0x92: {  	s4 =	sld [smem:$0x3FFB];
	_ =	sdelay $0x3  }
0x93: {  	_ =	strace s4  }
0x94: {  	s4 =	sld [smem:$0x3FFC];
	_ =	sdelay $0x3  }
0x95: {  	_ =	strace s4  }
0x96: {  	s4 =	sld [smem:$0x3FFD];
	_ =	sdelay $0x3  }
0x97: {  	_ =	strace s4  }
0x98: {  	_ =	strace $0x8FFFFFFF  }
0x99: {  	s19 =	sld [smem:$0x3FDB];
	_ =	sdelay $0x1  }
0x9a: {  	s5 =	simm.s32 $_scs_section_size  }
0x9b: {  	s6 =	simm.s32 $_size__tile_overlayer_lowered;
	s7 =	simm.s32 $_tile_overlayer_lowered  }
0x9c: {  	s22 =	simm.s32 $0x1BFF;
	s21 =	sshll.u32 s7, $0x1;
	s4 =	sadd.s32 s5, s19  }
0x9d: {  	s8 =	simm.s32 $0x0;
	s20 =	sshll.u32 s6, $0x1;
	s6 =	sadd.s32 s21, s4  }
0x9e: {  	[timem:s8], [sflag:s22] =	dma.local [hbm:s6], s20  }
0x9f: {  	_ =	swait.ge [sflag:s22], s20  }
0xa0: {  	s5 =	ssub.s32 $0x0, s20;
	[sflag:s22] =	ssyncset.done $0x0  }
0xa1: {  	[sflag:s22] =	ssyncadd.s32 s5;
	_ =	sdelay $0x1  }
0xa2: {  	s23 =	simm.s32 $0x1B8B  }
0xa3: {  	_ =	swait.ge [sflag:s23], $0x1  }
0xa4: {  	[sflag:s23] =	ssyncset.done $0x0  }
0xa5: {  	s25 =	simm.s32 $0x1B8E;
	s24 =	sld [smem:$0x3FFE];
	[sflag:s23] =	ssyncadd.s32 $0xFFFFFFFF  }
0xa6: {  	s26 =	simm.s32 $execute0_lowered;
	[smem:$0x3FD2] =	sst s25  }
0xa7: {  	s6 =	sshll.u32 s26, $0x1;
	_ =	strace $0x80000046;
	[dreg:$0x1] =	wrdreg $0xFFFFFFFF  }
0xa8: {  	s28 =	simm.s32 $_size_execute0_lowered;
	s4 =	sadd.s32 s4, s6;
	[dreg:$0x0] =	wrdreg $0x0  }
0xa9: {  	s6 =	sshll.u32 s28, $0x1;
	[dreg:$0x2] =	wrdreg s4  }
0xaa: {  	[dreg:$0x3] =	wrdreg s6  }
0xab: {  	[dreg:$0x4] =	wrdreg $0xC0  }
0xac: {  	_ =	task [dreg:s8], $0x5FFFF  }
0xad: {  	[dreg:$0x1] =	wrdreg $0xFFFFFFFF  }
0xae: {  	[dreg:$0x0] =	wrdreg $0x60  }
0xaf: {  	[dreg:$0x2] =	wrdreg s2  }
0xb0: {  	[dreg:$0x3] =	wrdreg s24  }
0xb1: {  	[dreg:$0x4] =	wrdreg s18  }
0xb2: {  	[dreg:$0x5] =	wrdreg $0x9  }
0xb3: {  	_ =	task.clear_ibuf [dreg:s8], $0x6FFFF;
	_ =	strace $0x90000046  }
0xb4: {  	s29 =	simm.s32 $0x9;
	_ =	strace $0x80000048  }
0xb5: {  	_ =	swait.ge [sflag:s29], $0x1  }
0xb6: {  	[sflag:s29] =	ssyncadd.s32 $0xFFFFFFFF  }
0xb7: {  	_ =	strace $0x90000048  }
0xb8: {  	_ =	sfence  }
0xb9: {  	s30 =	sld [smem:$0x0];
	_ =	sdelay $0x2  }
0xba: {  	s31 =	sshll.u32 s1, $0xD;
	s1 =	sshrl.u32 s1, $0x2  }
0xbb: {  	s3 =	sand.u32 $0x4000, s31;
	s1 =	sadd.s32 s1, s30  }
0xbc: {  	s0 =	sor.u32 s3, s0;
	s1 =	sshll.u32 s1, $0x11  }
0xbd: {  	s0 =	sor.u32 s1, s0  }
0xbe: {  	s0 =	sadd.s32 $0x8F2B, s0  }
0xbf: {  	[sflag:s0] =	ssyncadd.remote.s32 $0x1  }
0xc0: {  	_ =	sfence.sel $0xFFFF  }
0xc1: {  	[dreg:$0x0] =	wrdreg $0xFFFFFFFF;
	(pc) =	sbr.abs _section_cstart, $3  }
0xc2: {  	[dreg:$0x1] =	wrdreg $0xFFFFFFFF  }
0xc3: {  	_ =	task.clear_ibuf [dreg:s8], $0x2FFFF;
	_ =	strace $0x9FFFFFFF  }
0xc4: {  	(tm) =	ssettm $0x7FFFFFFF  }
0xc5: {  	_ =	shalt  }
tec
execute0_lowered:
.L_overlay_start_1:
0x0: {  	(tag) =	ssettag $0x1  }
0x1: {  	s1 =	rddreg [dreg:$0x0]  }
0x2: {  	s0 =	rddreg [dreg:$0x1]  }
0x3: {  	s2 =	rddreg [dreg:$0x2];
	s4 =	srdreg.scid  }
0x4: {  	s5 =	stileid.u32;
	s3 =	simm.s32 $0x0;
	s7 =	simm.s32 $0xB  }
0x5: {  	s8 =	simm.s32 $0x32;
	s18 =	simm.s32 $0x280;
	s19 =	simm.s32 $0x18C00  }
0x6: {  	s20 =	simm.s32 $0x300;
	s21 =	simm.s32 $0x1A800;
	s22 =	simm.s32 $0x1C400  }
0x7: {  	s23 =	simm.s32 $0x1;
	s24 =	simm.s32 $0x2;
	s25 =	simm.s32 $0x3  }
0x8: {  	s28 =	simm.s32 $0x1E000;
	s29 =	simm.s32 $0x5;
	s30 =	simm.s32 $0x6  }
0x9: {  	s31 =	simm.s32 $0x7;
	s9 =	simm.s32 $0x9;
	s10 =	simm.s32 $0xA  }
0xa: {  	s11 =	simm.s32 $0x0;
	s4 =	sand.u32 $0x1, s4;
	s5 =	sshll.u32 s5, $0x1  }
0xb: {  	[smem:$0x7FF] =	sst s3;
	s5 =	sor.u32 s4, s5;
	s4 =	ssub.s32 $0x2, s4  }
0xc: {  	_ =	strace $0x80000047;
	s6 =	sshll.u32 s5, $0xD;
	s26 =	sshrl.u32 s4, $0x1  }
0xd: {  	s5 =	sshll.u32 s5, $0xB;
	s0 =	sadd.s32 s6, s0;
	s6 =	ssub.s32 s4, s26  }
0xe: {  	s5 =	sadd.s32 s2, s5;
	s26 =	simm.s32 $0x4;
	s2 =	simm.s32 $0x1E080  }
0xf: {  	s4 =	sadd.s32 $0x20E00, s0;
	s6 =	smax.u32 s6, $0x1;
	s0 =	simm.s32 $0x8  }
.LBB2_1:
0x10: {  	[tilespmem:s3], [sflag:$0xB] =	stream.linear.gather [hbm4b:s4+s3], $0x10000, $0x38;
	[tilespmem:$0x1E100] =	vst v63  }
0x11: {  	_ =	swait.ge [sflag:s7], $0x10000  }
0x12: {  	[sflag:s7] =	ssyncset.done $0x0  }
0x13: {  	s12 =	simm.s32 $0x10000;
	[sflag:s7] =	ssyncadd.s32 $0xFFFF0000  }
0x14: {  	[tilespmem:s12], [sflag:$0x1] =	stream.indirect.gather [hbm4b:s1+s8], $0x80, s3, s8, $0xb8;
	[tilespmem:$0x1E100] =	vst v63  }
0x15: {  	s15 =	simm.s32 $0x80;
	s13 =	simm.s32 $0x11C00  }
0x16: {  	[tilespmem:s13], [sflag:$0x2] =	stream.indirect.gather [hbm4b:s1+s8], $0x80, s15, s8, $0xb8;
	[tilespmem:$0x1E100] =	vst v63  }
0x17: {  	s16 =	simm.s32 $0x100;
	s17 =	simm.s32 $0x13800  }
0x18: {  	[tilespmem:s17], [sflag:$0x3] =	stream.indirect.gather [hbm4b:s1+s8], $0x80, s16, s8, $0xb8;
	[tilespmem:$0x1E100] =	vst v63  }
0x19: {  	s14 =	simm.s32 $0x180;
	s15 =	simm.s32 $0x15400  }
0x1a: {  	[tilespmem:s15], [sflag:$0x4] =	stream.indirect.gather [hbm4b:s1+s8], $0x80, s14, s8, $0xb8;
	[tilespmem:$0x1E100] =	vst v63  }
0x1b: {  	s16 =	simm.s32 $0x200;
	s17 =	simm.s32 $0x17000  }
0x1c: {  	[tilespmem:s17], [sflag:$0x5] =	stream.indirect.gather [hbm4b:s1+s8], $0x80, s16, s8, $0xb8;
	[tilespmem:$0x1E100] =	vst v63  }
0x1d: {  	_ = 	snop  }
0x1e: {  	[tilespmem:s19], [sflag:$0x6] =	stream.indirect.gather [hbm4b:s1+s8], $0x80, s18, s8, $0xb8;
	[tilespmem:$0x1E100] =	vst v63  }
0x1f: {  	s12 =	simm.s32 $0x0  }
0x20: {  	[tilespmem:s21], [sflag:$0x7] =	stream.indirect.gather [hbm4b:s1+s8], $0x80, s20, s8, $0xb8;
	[tilespmem:$0x1E100] =	vst v63  }
.LBB2_2:
0x21: {  	s13 =	sshllo.u32 s12, $0x3  }
0x22: {  	s14 =	sshll.u32 s13, $0x7  }
0x23: {  	s14 =	sand.u32 $0x3FFFFF80, s14  }
0x24: {  	[tilespmem:s22], [sflag:$0x8] =	stream.indirect.gather [hbm4b:s1+s8], $0x80, s14, s8, $0xb8;
	[tilespmem:$0x1E100] =	vst v63  }
0x25: {  	_ =	swait.ge [sflag:s23], $0x1900  }
0x26: {  	[sflag:s23] =	ssyncset.done $0x0  }
0x27: {  	s16 =	simm.s32 $0x0;
	[sflag:s23] =	ssyncadd.s32 $0xFFFFE700  }
0x28: {  	v0 =	vld [tilespmem:s16+$0x10070]  }
0x29: {  	v2 =	vld [tilespmem:s16+$0x10000]  }
0x2a: {  	v4 =	vld [tilespmem:s16+$0x10010]  }
0x2b: {  	v5 =	vld [tilespmem:s16+$0x10020]  }
0x2c: {  	v8 =	vld [tilespmem:s16+$0x10030]  }
0x2d: {  	v3 =	vimm.f32 $0.0e+00;
	v9 =	vimm.f32 $0.0e+00;
	v6 =	vld [tilespmem:s16+$0x10040]  }
0x2e: {  	v10 =	vimm.f32 $0.0e+00;
	v7 =	vimm.f32 $0.0e+00;
	v11 =	vld [tilespmem:s16+$0x10050];
	v1 =	vadd.f32 v0, v3  }
0x2f: {  	s15 =	simm.s32 $0x80;
	s14 =	simm.s32 $0x400;
	v12 =	vld [tilespmem:s16+$0x10060];
	v0 =	vadd.f32 v2, v3;
	v2 =	vadd.f32 v4, v3;
	v4 =	vimm.f32 $0.0e+00  }
.LBB2_3:
0x30: {  	p0 =	sne.s32 s14, $0x6200;
	v13 =	vld [tilespmem:s15+$0x10070];
	v3 =	vadd.f32 v5, v3  }
0x31: {  	v14 =	vld [tilespmem:s15+$0x10000];
	v4 =	vadd.f32 v8, v4  }
0x32: {  	v15 =	vld [tilespmem:s15+$0x10010];
	v9 =	vadd.f32 v6, v9  }
.Ltmp0:
0x33: {  	v5 =	vld [tilespmem:s15+$0x10020];
	v10 =	vadd.f32 v11, v10;
	(pc) =	sbr.rel @p0 .LBB2_3-.Ltmp0, $4  }
0x34: {  	v8 =	vld [tilespmem:s15+$0x10030];
	v7 =	vadd.f32 v12, v7  }
0x35: {  	v6 =	vld [tilespmem:s15+$0x10040];
	v1 =	vadd.f32 v13, v1  }
0x36: {  	v0 =	vadd.f32 v14, v0;
	v11 =	vld [tilespmem:s15+$0x10050]  }
0x37: {  	v2 =	vadd.f32 v15, v2;
	v12 =	vld [tilespmem:s15+$0x10060];
	s15 =	sshra.s32 s14, $0x2;
	s14 =	sadd.s32 $0x200, s14  }
0x38: {  	v13 =	vld [tilespmem:s15+$0x10070]  }
0x39: {  	v14 =	vld [tilespmem:s15+$0x10000]  }
0x3a: {  	v15 =	vld [tilespmem:s15+$0x10010]  }
0x3b: {  	v16 =	vld [tilespmem:s15+$0x10020]  }
0x3c: {  	v17 =	vld [tilespmem:s15+$0x10030];
	p0 =	seq.s32 s12, $0x3F  }
0x3d: {  	v18 =	vld [tilespmem:s15+$0x10040];
	s14 =	sshll.u32 @!p0 s12, $0xA  }
0x3e: {  	v19 =	vld [tilespmem:s15+$0x10050];
	s14 =	sand.u32 @!p0 $0x3FFFFC00, s14  }
0x3f: {  	v20 =	vld [tilespmem:s15+$0x10060];
	s16 =	simm.s32 @!p0 $0x32;
	s17 =	simm.s32 @!p0 $0x10000;
	s15 =	sadd.s32 @!p0 $0x400, s14  }
0x40: {  	[tilespmem:s17], [sflag:$0x1] =	stream.indirect.gather @!p0 [hbm4b:s1+s16], $0x80, s15, s16, $0xb8;
	[tilespmem:$0x1E100] =	vst v63  }
0x41: {  	_ =	swait.ge [sflag:s24], $0x1900  }
0x42: {  	[sflag:s24] =	ssyncset.done $0x0  }
0x43: {  	s17 =	simm.s32 $0x0;
	[sflag:s24] =	ssyncadd.s32 $0xFFFFE700  }
0x44: {  	v3 =	vadd.f32 v5, v3;
	v4 =	vadd.f32 v8, v4;
	v5 =	vld [tilespmem:s17+$0x11C70]  }
0x45: {  	v6 =	vadd.f32 v6, v9;
	v10 =	vadd.f32 v11, v10;
	v21 =	vld [tilespmem:s17+$0x11C00]  }
0x46: {  	v7 =	vadd.f32 v12, v7;
	v11 =	vadd.f32 v13, v1;
	v12 =	vld [tilespmem:s17+$0x11C10]  }
0x47: {  	v13 =	vadd.f32 v14, v0;
	v14 =	vadd.f32 v15, v2;
	v8 =	vld [tilespmem:s17+$0x11C20]  }
0x48: {  	v0 =	vadd.f32 v16, v3;
	v1 =	vadd.f32 v17, v4;
	v9 =	vld [tilespmem:s17+$0x11C30]  }
0x49: {  	v2 =	vadd.f32 v18, v6;
	v3 =	vadd.f32 v19, v10;
	v10 =	vld [tilespmem:s17+$0x11C40]  }
0x4a: {  	v4 =	vadd.f32 v20, v7;
	v5 =	vadd.f32 v5, v11;
	v11 =	vld [tilespmem:s17+$0x11C50]  }
0x4b: {  	s15 =	simm.s32 $0x80;
	s16 =	simm.s32 $0x400;
	v6 =	vadd.f32 v21, v13;
	v7 =	vadd.f32 v12, v14;
	v12 =	vld [tilespmem:s17+$0x11C60]  }
.LBB2_5:
0x4c: {  	p1 =	sne.s32 s16, $0x6200;
	v13 =	vld [tilespmem:s15+$0x11C70];
	v0 =	vadd.f32 v8, v0  }
0x4d: {  	v14 =	vld [tilespmem:s15+$0x11C00];
	v1 =	vadd.f32 v9, v1  }
0x4e: {  	v15 =	vld [tilespmem:s15+$0x11C10];
	v2 =	vadd.f32 v10, v2  }
.Ltmp1:
0x4f: {  	v8 =	vld [tilespmem:s15+$0x11C20];
	v3 =	vadd.f32 v11, v3;
	(pc) =	sbr.rel @p1 .LBB2_5-.Ltmp1, $4  }
0x50: {  	v9 =	vld [tilespmem:s15+$0x11C30];
	v4 =	vadd.f32 v12, v4  }
0x51: {  	v10 =	vld [tilespmem:s15+$0x11C40];
	v5 =	vadd.f32 v13, v5  }
0x52: {  	v6 =	vadd.f32 v14, v6;
	v11 =	vld [tilespmem:s15+$0x11C50]  }
0x53: {  	v7 =	vadd.f32 v15, v7;
	v12 =	vld [tilespmem:s15+$0x11C60];
	s15 =	sshra.s32 s16, $0x2;
	s16 =	sadd.s32 $0x200, s16  }
0x54: {  	v13 =	vld [tilespmem:s15+$0x11C70]  }
0x55: {  	v14 =	vld [tilespmem:s15+$0x11C00]  }
0x56: {  	v15 =	vld [tilespmem:s15+$0x11C10]  }
0x57: {  	v16 =	vld [tilespmem:s15+$0x11C20]  }
0x58: {  	v17 =	vld [tilespmem:s15+$0x11C30]  }
0x59: {  	v18 =	vld [tilespmem:s15+$0x11C40]  }
0x5a: {  	v19 =	vld [tilespmem:s15+$0x11C50]  }
0x5b: {  	v20 =	vld [tilespmem:s15+$0x11C60];
	s15 =	sadd.s32 @!p0 $0x480, s14;
	s16 =	simm.s32 @!p0 $0x32;
	s17 =	simm.s32 @!p0 $0x11C00  }
0x5c: {  	[tilespmem:s17], [sflag:$0x2] =	stream.indirect.gather @!p0 [hbm4b:s1+s16], $0x80, s15, s16, $0xb8;
	[tilespmem:$0x1E100] =	vst v63  }
0x5d: {  	_ =	swait.ge [sflag:s25], $0x1900  }
0x5e: {  	[sflag:s25] =	ssyncset.done $0x0  }
0x5f: {  	s17 =	simm.s32 $0x0;
	[sflag:s25] =	ssyncadd.s32 $0xFFFFE700  }
0x60: {  	v0 =	vadd.f32 v8, v0;
	v1 =	vadd.f32 v9, v1;
	v21 =	vld [tilespmem:s17+$0x13870]  }
0x61: {  	v2 =	vadd.f32 v10, v2;
	v3 =	vadd.f32 v11, v3;
	v22 =	vld [tilespmem:s17+$0x13800]  }
0x62: {  	v4 =	vadd.f32 v12, v4;
	v5 =	vadd.f32 v13, v5;
	v12 =	vld [tilespmem:s17+$0x13810]  }
0x63: {  	v6 =	vadd.f32 v14, v6;
	v7 =	vadd.f32 v15, v7;
	v8 =	vld [tilespmem:s17+$0x13820]  }
0x64: {  	v0 =	vadd.f32 v16, v0;
	v1 =	vadd.f32 v17, v1;
	v9 =	vld [tilespmem:s17+$0x13830]  }
0x65: {  	v2 =	vadd.f32 v18, v2;
	v3 =	vadd.f32 v19, v3;
	v10 =	vld [tilespmem:s17+$0x13840]  }
0x66: {  	v11 =	vld [tilespmem:s17+$0x13850];
	v4 =	vadd.f32 v20, v4;
	v5 =	vadd.f32 v21, v5  }
0x67: {  	s15 =	simm.s32 $0x80;
	s16 =	simm.s32 $0x400;
	v6 =	vadd.f32 v22, v6;
	v7 =	vadd.f32 v12, v7;
	v12 =	vld [tilespmem:s17+$0x13860]  }
.LBB2_7:
0x68: {  	p1 =	sne.s32 s16, $0x6200;
	v13 =	vld [tilespmem:s15+$0x13870];
	v0 =	vadd.f32 v8, v0  }
0x69: {  	v14 =	vld [tilespmem:s15+$0x13800];
	v1 =	vadd.f32 v9, v1  }
0x6a: {  	v15 =	vld [tilespmem:s15+$0x13810];
	v2 =	vadd.f32 v10, v2  }
.Ltmp2:
0x6b: {  	v8 =	vld [tilespmem:s15+$0x13820];
	v3 =	vadd.f32 v11, v3;
	(pc) =	sbr.rel @p1 .LBB2_7-.Ltmp2, $4  }
0x6c: {  	v9 =	vld [tilespmem:s15+$0x13830];
	v4 =	vadd.f32 v12, v4  }
0x6d: {  	v10 =	vld [tilespmem:s15+$0x13840];
	v5 =	vadd.f32 v13, v5  }
0x6e: {  	v6 =	vadd.f32 v14, v6;
	v11 =	vld [tilespmem:s15+$0x13850]  }
0x6f: {  	v7 =	vadd.f32 v15, v7;
	v12 =	vld [tilespmem:s15+$0x13860];
	s15 =	sshra.s32 s16, $0x2;
	s16 =	sadd.s32 $0x200, s16  }
0x70: {  	v13 =	vld [tilespmem:s15+$0x13870]  }
0x71: {  	v14 =	vld [tilespmem:s15+$0x13800]  }
0x72: {  	v15 =	vld [tilespmem:s15+$0x13810]  }
0x73: {  	v16 =	vld [tilespmem:s15+$0x13820]  }
0x74: {  	v17 =	vld [tilespmem:s15+$0x13830]  }
0x75: {  	v18 =	vld [tilespmem:s15+$0x13840]  }
0x76: {  	v19 =	vld [tilespmem:s15+$0x13850]  }
0x77: {  	v20 =	vld [tilespmem:s15+$0x13860];
	s15 =	sadd.s32 @!p0 $0x500, s14;
	s16 =	simm.s32 @!p0 $0x32;
	s17 =	simm.s32 @!p0 $0x13800  }
0x78: {  	[tilespmem:s17], [sflag:$0x3] =	stream.indirect.gather @!p0 [hbm4b:s1+s16], $0x80, s15, s16, $0xb8;
	[tilespmem:$0x1E100] =	vst v63  }
0x79: {  	_ =	swait.ge [sflag:s26], $0x1900  }
0x7a: {  	[sflag:s26] =	ssyncset.done $0x0  }
0x7b: {  	s17 =	simm.s32 $0x0;
	[sflag:s26] =	ssyncadd.s32 $0xFFFFE700  }
0x7c: {  	v0 =	vadd.f32 v8, v0;
	v1 =	vadd.f32 v9, v1;
	v9 =	vld [tilespmem:s17+$0x15470]  }
0x7d: {  	v2 =	vadd.f32 v10, v2;
	v8 =	vadd.f32 v11, v3;
	v10 =	vld [tilespmem:s17+$0x15400]  }
0x7e: {  	v11 =	vadd.f32 v12, v4;
	v12 =	vadd.f32 v13, v5;
	v13 =	vld [tilespmem:s17+$0x15410]  }
0x7f: {  	v14 =	vadd.f32 v14, v6;
	v15 =	vadd.f32 v15, v7;
	v6 =	vld [tilespmem:s17+$0x15420]  }
0x80: {  	v5 =	vadd.f32 v16, v0;
	v4 =	vadd.f32 v17, v1;
	v7 =	vld [tilespmem:s17+$0x15430]  }
0x81: {  	v3 =	vadd.f32 v18, v2;
	v2 =	vadd.f32 v19, v8;
	v8 =	vld [tilespmem:s17+$0x15440]  }
0x82: {  	v1 =	vadd.f32 v20, v11;
	v0 =	vadd.f32 v9, v12;
	v9 =	vld [tilespmem:s17+$0x15450]  }
0x83: {  	s15 =	simm.s32 $0x80;
	s16 =	simm.s32 $0x400;
	v10 =	vadd.f32 v10, v14;
	v11 =	vadd.f32 v13, v15;
	v12 =	vld [tilespmem:s17+$0x15460]  }
.LBB2_9:
0x84: {  	p1 =	sne.s32 s16, $0x6200;
	v13 =	vld [tilespmem:s15+$0x15470];
	v5 =	vadd.f32 v6, v5  }
0x85: {  	v14 =	vld [tilespmem:s15+$0x15400];
	v4 =	vadd.f32 v7, v4  }
0x86: {  	v15 =	vld [tilespmem:s15+$0x15410];
	v3 =	vadd.f32 v8, v3  }
.Ltmp3:
0x87: {  	v6 =	vld [tilespmem:s15+$0x15420];
	v2 =	vadd.f32 v9, v2;
	(pc) =	sbr.rel @p1 .LBB2_9-.Ltmp3, $4  }
0x88: {  	v7 =	vld [tilespmem:s15+$0x15430];
	v1 =	vadd.f32 v12, v1  }
0x89: {  	v8 =	vld [tilespmem:s15+$0x15440];
	v0 =	vadd.f32 v13, v0  }
0x8a: {  	v10 =	vadd.f32 v14, v10;
	v9 =	vld [tilespmem:s15+$0x15450]  }
0x8b: {  	v11 =	vadd.f32 v15, v11;
	v12 =	vld [tilespmem:s15+$0x15460];
	s15 =	sshra.s32 s16, $0x2;
	s16 =	sadd.s32 $0x200, s16  }
0x8c: {  	v13 =	vld [tilespmem:s15+$0x15470]  }
0x8d: {  	v14 =	vld [tilespmem:s15+$0x15400]  }
0x8e: {  	v15 =	vld [tilespmem:s15+$0x15410]  }
0x8f: {  	v16 =	vld [tilespmem:s15+$0x15420]  }
0x90: {  	v17 =	vld [tilespmem:s15+$0x15430]  }
0x91: {  	v18 =	vld [tilespmem:s15+$0x15440]  }
0x92: {  	v19 =	vld [tilespmem:s15+$0x15450];
	p1 =	seq.s32 s12, $0x0  }
0x93: {  	v20 =	vld [tilespmem:s15+$0x15460];
	s15 =	simm.s32 @!p1 $0x9  }
0x94: {  	_ =	swait.ge @!p1 [sflag:s15], $0x80  }
0x95: {  	v5 =	vadd.f32 v6, v5;
	[sflag:s15] =	ssyncset.done @!p1 $0x0;
	v6 =	vadd.f32 v14, v10  }
0x96: {  	v4 =	vadd.f32 v7, v4;
	[sflag:s15] =	ssyncadd.s32 @!p1 $0xFFFFFF80;
	v7 =	vadd.f32 v15, v11  }
0x97: {  	v3 =	vadd.f32 v8, v3;
	v5 =	vadd.f32 v16, v5;
	[tilespmem:$0x1E000] =	vst v6  }
0x98: {  	v2 =	vadd.f32 v9, v2;
	v4 =	vadd.f32 v17, v4;
	[tilespmem:$0x1E010] =	vst v7  }
0x99: {  	v3 =	vadd.f32 v18, v3;
	[tilespmem:$0x1E020] =	vst v5  }
0x9a: {  	v1 =	vadd.f32 v12, v1;
	v2 =	vadd.f32 v19, v2;
	[tilespmem:$0x1E030] =	vst v4  }
0x9b: {  	v0 =	vadd.f32 v13, v0;
	[tilespmem:$0x1E040] =	vst v3  }
0x9c: {  	v1 =	vadd.f32 v20, v1;
	[tilespmem:$0x1E050] =	vst v2  }
0x9d: {  	s17 =	sshll.u32 s12, $0x5;
	[tilespmem:$0x1E070] =	vst v0  }
0x9e: {  	s15 =	sadd.s32 s17, s5;
	[tilespmem:$0x1E060] =	vst v1  }
0x9f: {  	[hbm4b:s15+s3] =	stream.linear.scatter [tilespmem:s28], [sflag:$0x9], $0x80, $0x38;
	[tilespmem:$0x1E100] =	vst v63  }
0xa0: {  	s16 =	simm.s32 @!p0 $0x32;
	s17 =	simm.s32 @!p0 $0x15400;
	s15 =	sadd.s32 @!p0 $0x580, s14  }
0xa1: {  	[tilespmem:s17], [sflag:$0x4] =	stream.indirect.gather @!p0 [hbm4b:s1+s16], $0x80, s15, s16, $0xb8;
	[tilespmem:$0x1E100] =	vst v63  }
0xa2: {  	_ =	swait.ge [sflag:s29], $0x1900  }
0xa3: {  	[sflag:s29] =	ssyncset.done $0x0  }
0xa4: {  	s17 =	simm.s32 $0x0;
	[sflag:s29] =	ssyncadd.s32 $0xFFFFE700  }
0xa5: {  	v0 =	vld [tilespmem:s17+$0x17070]  }
0xa6: {  	v2 =	vld [tilespmem:s17+$0x17000]  }
0xa7: {  	v4 =	vld [tilespmem:s17+$0x17010]  }
0xa8: {  	v5 =	vld [tilespmem:s17+$0x17020]  }
0xa9: {  	v8 =	vld [tilespmem:s17+$0x17030]  }
0xaa: {  	v9 =	vimm.f32 $0.0e+00;
	v3 =	vimm.f32 $0.0e+00;
	v6 =	vld [tilespmem:s17+$0x17040]  }
0xab: {  	v10 =	vimm.f32 $0.0e+00;
	v7 =	vimm.f32 $0.0e+00;
	v11 =	vld [tilespmem:s17+$0x17050];
	v1 =	vadd.f32 v0, v3  }
0xac: {  	s15 =	simm.s32 $0x80;
	s16 =	simm.s32 $0x400;
	v12 =	vld [tilespmem:s17+$0x17060];
	v0 =	vadd.f32 v2, v3;
	v2 =	vadd.f32 v4, v3;
	v4 =	vimm.f32 $0.0e+00  }
.LBB2_11:
0xad: {  	p1 =	sne.s32 s16, $0x6200;
	v13 =	vld [tilespmem:s15+$0x17070];
	v3 =	vadd.f32 v5, v3  }
0xae: {  	v14 =	vld [tilespmem:s15+$0x17000];
	v4 =	vadd.f32 v8, v4  }
0xaf: {  	v15 =	vld [tilespmem:s15+$0x17010];
	v9 =	vadd.f32 v6, v9  }
.Ltmp4:
0xb0: {  	v5 =	vld [tilespmem:s15+$0x17020];
	v10 =	vadd.f32 v11, v10;
	(pc) =	sbr.rel @p1 .LBB2_11-.Ltmp4, $4  }
0xb1: {  	v8 =	vld [tilespmem:s15+$0x17030];
	v7 =	vadd.f32 v12, v7  }
0xb2: {  	v6 =	vld [tilespmem:s15+$0x17040];
	v1 =	vadd.f32 v13, v1  }
0xb3: {  	v0 =	vadd.f32 v14, v0;
	v11 =	vld [tilespmem:s15+$0x17050]  }
0xb4: {  	v2 =	vadd.f32 v15, v2;
	v12 =	vld [tilespmem:s15+$0x17060];
	s15 =	sshra.s32 s16, $0x2;
	s16 =	sadd.s32 $0x200, s16  }
0xb5: {  	v13 =	vld [tilespmem:s15+$0x17070]  }
0xb6: {  	v14 =	vld [tilespmem:s15+$0x17000]  }
0xb7: {  	v15 =	vld [tilespmem:s15+$0x17010]  }
0xb8: {  	v16 =	vld [tilespmem:s15+$0x17020]  }
0xb9: {  	v17 =	vld [tilespmem:s15+$0x17030]  }
0xba: {  	v18 =	vld [tilespmem:s15+$0x17040]  }
0xbb: {  	v19 =	vld [tilespmem:s15+$0x17050]  }
0xbc: {  	v20 =	vld [tilespmem:s15+$0x17060];
	s15 =	sadd.s32 @!p0 $0x600, s14;
	s16 =	simm.s32 @!p0 $0x32;
	s17 =	simm.s32 @!p0 $0x17000  }
0xbd: {  	[tilespmem:s17], [sflag:$0x5] =	stream.indirect.gather @!p0 [hbm4b:s1+s16], $0x80, s15, s16, $0xb8;
	[tilespmem:$0x1E100] =	vst v63  }
0xbe: {  	_ =	swait.ge [sflag:s30], $0x1900  }
0xbf: {  	[sflag:s30] =	ssyncset.done $0x0  }
0xc0: {  	s17 =	simm.s32 $0x0;
	[sflag:s30] =	ssyncadd.s32 $0xFFFFE700  }
0xc1: {  	v3 =	vadd.f32 v5, v3;
	v4 =	vadd.f32 v8, v4;
	v5 =	vld [tilespmem:s17+$0x18C70]  }
0xc2: {  	v6 =	vadd.f32 v6, v9;
	v10 =	vadd.f32 v11, v10;
	v21 =	vld [tilespmem:s17+$0x18C00]  }
0xc3: {  	v7 =	vadd.f32 v12, v7;
	v11 =	vadd.f32 v13, v1;
	v12 =	vld [tilespmem:s17+$0x18C10]  }
0xc4: {  	v13 =	vadd.f32 v14, v0;
	v14 =	vadd.f32 v15, v2;
	v8 =	vld [tilespmem:s17+$0x18C20]  }
0xc5: {  	v0 =	vadd.f32 v16, v3;
	v1 =	vadd.f32 v17, v4;
	v9 =	vld [tilespmem:s17+$0x18C30]  }
0xc6: {  	v2 =	vadd.f32 v18, v6;
	v3 =	vadd.f32 v19, v10;
	v10 =	vld [tilespmem:s17+$0x18C40]  }
0xc7: {  	v4 =	vadd.f32 v20, v7;
	v5 =	vadd.f32 v5, v11;
	v11 =	vld [tilespmem:s17+$0x18C50]  }
0xc8: {  	s15 =	simm.s32 $0x80;
	s16 =	simm.s32 $0x400;
	v6 =	vadd.f32 v21, v13;
	v7 =	vadd.f32 v12, v14;
	v12 =	vld [tilespmem:s17+$0x18C60]  }
.LBB2_13:
0xc9: {  	p1 =	sne.s32 s16, $0x6200;
	v13 =	vld [tilespmem:s15+$0x18C70];
	v0 =	vadd.f32 v8, v0  }
0xca: {  	v14 =	vld [tilespmem:s15+$0x18C00];
	v1 =	vadd.f32 v9, v1  }
0xcb: {  	v15 =	vld [tilespmem:s15+$0x18C10];
	v2 =	vadd.f32 v10, v2  }
.Ltmp5:
0xcc: {  	v8 =	vld [tilespmem:s15+$0x18C20];
	v3 =	vadd.f32 v11, v3;
	(pc) =	sbr.rel @p1 .LBB2_13-.Ltmp5, $4  }
0xcd: {  	v9 =	vld [tilespmem:s15+$0x18C30];
	v4 =	vadd.f32 v12, v4  }
0xce: {  	v10 =	vld [tilespmem:s15+$0x18C40];
	v5 =	vadd.f32 v13, v5  }
0xcf: {  	v6 =	vadd.f32 v14, v6;
	v11 =	vld [tilespmem:s15+$0x18C50]  }
0xd0: {  	v7 =	vadd.f32 v15, v7;
	v12 =	vld [tilespmem:s15+$0x18C60];
	s15 =	sshra.s32 s16, $0x2;
	s16 =	sadd.s32 $0x200, s16  }
0xd1: {  	v13 =	vld [tilespmem:s15+$0x18C70]  }
0xd2: {  	v14 =	vld [tilespmem:s15+$0x18C00]  }
0xd3: {  	v15 =	vld [tilespmem:s15+$0x18C10]  }
0xd4: {  	v16 =	vld [tilespmem:s15+$0x18C20]  }
0xd5: {  	v17 =	vld [tilespmem:s15+$0x18C30]  }
0xd6: {  	v18 =	vld [tilespmem:s15+$0x18C40]  }
0xd7: {  	v19 =	vld [tilespmem:s15+$0x18C50]  }
0xd8: {  	v20 =	vld [tilespmem:s15+$0x18C60];
	s15 =	sadd.s32 @!p0 $0x680, s14;
	s16 =	simm.s32 @!p0 $0x32;
	s17 =	simm.s32 @!p0 $0x18C00  }
0xd9: {  	[tilespmem:s17], [sflag:$0x6] =	stream.indirect.gather @!p0 [hbm4b:s1+s16], $0x80, s15, s16, $0xb8;
	[tilespmem:$0x1E100] =	vst v63  }
0xda: {  	_ =	swait.ge [sflag:s31], $0x1900  }
0xdb: {  	[sflag:s31] =	ssyncset.done $0x0  }
0xdc: {  	s17 =	simm.s32 $0x0;
	[sflag:s31] =	ssyncadd.s32 $0xFFFFE700  }
0xdd: {  	v0 =	vadd.f32 v8, v0;
	v1 =	vadd.f32 v9, v1;
	v21 =	vld [tilespmem:s17+$0x1A870]  }
0xde: {  	v2 =	vadd.f32 v10, v2;
	v3 =	vadd.f32 v11, v3;
	v22 =	vld [tilespmem:s17+$0x1A800]  }
0xdf: {  	v4 =	vadd.f32 v12, v4;
	v5 =	vadd.f32 v13, v5;
	v12 =	vld [tilespmem:s17+$0x1A810]  }
0xe0: {  	v6 =	vadd.f32 v14, v6;
	v7 =	vadd.f32 v15, v7;
	v8 =	vld [tilespmem:s17+$0x1A820]  }
0xe1: {  	v0 =	vadd.f32 v16, v0;
	v1 =	vadd.f32 v17, v1;
	v9 =	vld [tilespmem:s17+$0x1A830]  }
0xe2: {  	v2 =	vadd.f32 v18, v2;
	v3 =	vadd.f32 v19, v3;
	v10 =	vld [tilespmem:s17+$0x1A840]  }
0xe3: {  	v11 =	vld [tilespmem:s17+$0x1A850];
	v4 =	vadd.f32 v20, v4;
	v5 =	vadd.f32 v21, v5  }
0xe4: {  	s15 =	simm.s32 $0x80;
	s16 =	simm.s32 $0x400;
	v6 =	vadd.f32 v22, v6;
	v7 =	vadd.f32 v12, v7;
	v12 =	vld [tilespmem:s17+$0x1A860]  }
.LBB2_15:
0xe5: {  	p1 =	sne.s32 s16, $0x6200;
	v13 =	vld [tilespmem:s15+$0x1A870];
	v0 =	vadd.f32 v8, v0  }
0xe6: {  	v14 =	vld [tilespmem:s15+$0x1A800];
	v1 =	vadd.f32 v9, v1  }
0xe7: {  	v15 =	vld [tilespmem:s15+$0x1A810];
	v2 =	vadd.f32 v10, v2  }
.Ltmp6:
0xe8: {  	v8 =	vld [tilespmem:s15+$0x1A820];
	v3 =	vadd.f32 v11, v3;
	(pc) =	sbr.rel @p1 .LBB2_15-.Ltmp6, $4  }
0xe9: {  	v9 =	vld [tilespmem:s15+$0x1A830];
	v4 =	vadd.f32 v12, v4  }
0xea: {  	v10 =	vld [tilespmem:s15+$0x1A840];
	v5 =	vadd.f32 v13, v5  }
0xeb: {  	v6 =	vadd.f32 v14, v6;
	v11 =	vld [tilespmem:s15+$0x1A850]  }
0xec: {  	v7 =	vadd.f32 v15, v7;
	v12 =	vld [tilespmem:s15+$0x1A860];
	s15 =	sshra.s32 s16, $0x2;
	s16 =	sadd.s32 $0x200, s16  }
0xed: {  	v13 =	vld [tilespmem:s15+$0x1A870]  }
0xee: {  	v14 =	vld [tilespmem:s15+$0x1A800]  }
0xef: {  	v15 =	vld [tilespmem:s15+$0x1A810]  }
0xf0: {  	v16 =	vld [tilespmem:s15+$0x1A820]  }
0xf1: {  	v17 =	vld [tilespmem:s15+$0x1A830]  }
0xf2: {  	v18 =	vld [tilespmem:s15+$0x1A840]  }
0xf3: {  	v19 =	vld [tilespmem:s15+$0x1A850]  }
0xf4: {  	v20 =	vld [tilespmem:s15+$0x1A860];
	s14 =	sadd.s32 @!p0 $0x700, s14;
	s15 =	simm.s32 @!p0 $0x32;
	s16 =	simm.s32 @!p0 $0x1A800  }
0xf5: {  	[tilespmem:s16], [sflag:$0x7] =	stream.indirect.gather @!p0 [hbm4b:s1+s15], $0x80, s14, s15, $0xb8;
	[tilespmem:$0x1E100] =	vst v63  }
0xf6: {  	_ =	swait.ge [sflag:s0], $0x1900  }
0xf7: {  	[sflag:s0] =	ssyncset.done $0x0  }
0xf8: {  	s17 =	simm.s32 $0x0;
	[sflag:s0] =	ssyncadd.s32 $0xFFFFE700  }
0xf9: {  	v0 =	vadd.f32 v8, v0;
	v1 =	vadd.f32 v9, v1;
	v9 =	vld [tilespmem:s17+$0x1C470]  }
0xfa: {  	v2 =	vadd.f32 v10, v2;
	v8 =	vadd.f32 v11, v3;
	v10 =	vld [tilespmem:s17+$0x1C400]  }
0xfb: {  	v11 =	vadd.f32 v12, v4;
	v12 =	vadd.f32 v13, v5;
	v13 =	vld [tilespmem:s17+$0x1C410]  }
0xfc: {  	v14 =	vadd.f32 v14, v6;
	v15 =	vadd.f32 v15, v7;
	v6 =	vld [tilespmem:s17+$0x1C420]  }
0xfd: {  	v5 =	vadd.f32 v16, v0;
	v4 =	vadd.f32 v17, v1;
	v7 =	vld [tilespmem:s17+$0x1C430]  }
0xfe: {  	v3 =	vadd.f32 v18, v2;
	v2 =	vadd.f32 v19, v8;
	v8 =	vld [tilespmem:s17+$0x1C440]  }
0xff: {  	v1 =	vadd.f32 v20, v11;
	v0 =	vadd.f32 v9, v12;
	v9 =	vld [tilespmem:s17+$0x1C450]  }
0x100: {  	s14 =	simm.s32 $0x80;
	s15 =	simm.s32 $0x400;
	v10 =	vadd.f32 v10, v14;
	v11 =	vadd.f32 v13, v15;
	v12 =	vld [tilespmem:s17+$0x1C460]  }
.LBB2_17:
0x101: {  	p0 =	sne.s32 s15, $0x6200;
	v13 =	vld [tilespmem:s14+$0x1C470];
	v5 =	vadd.f32 v6, v5  }
0x102: {  	v14 =	vld [tilespmem:s14+$0x1C400];
	v4 =	vadd.f32 v7, v4  }
0x103: {  	v15 =	vld [tilespmem:s14+$0x1C410];
	v3 =	vadd.f32 v8, v3  }
.Ltmp7:
0x104: {  	v6 =	vld [tilespmem:s14+$0x1C420];
	v2 =	vadd.f32 v9, v2;
	(pc) =	sbr.rel @p0 .LBB2_17-.Ltmp7, $4  }
0x105: {  	v7 =	vld [tilespmem:s14+$0x1C430];
	v1 =	vadd.f32 v12, v1  }
0x106: {  	v8 =	vld [tilespmem:s14+$0x1C440];
	v0 =	vadd.f32 v13, v0  }
0x107: {  	v10 =	vadd.f32 v14, v10;
	v9 =	vld [tilespmem:s14+$0x1C450]  }
0x108: {  	v11 =	vadd.f32 v15, v11;
	v12 =	vld [tilespmem:s14+$0x1C460];
	s14 =	sshra.s32 s15, $0x2;
	s15 =	sadd.s32 $0x200, s15  }
0x109: {  	v13 =	vld [tilespmem:s14+$0x1C470]  }
0x10a: {  	v14 =	vld [tilespmem:s14+$0x1C400]  }
0x10b: {  	v15 =	vld [tilespmem:s14+$0x1C410]  }
0x10c: {  	v16 =	vld [tilespmem:s14+$0x1C420]  }
0x10d: {  	v17 =	vld [tilespmem:s14+$0x1C430]  }
0x10e: {  	v18 =	vld [tilespmem:s14+$0x1C440];
	s13 =	sshrl.u32 s13, $0x2  }
0x10f: {  	v19 =	vld [tilespmem:s14+$0x1C450];
	p0 =	seq.s32 s13, $0x1  }
0x110: {  	v20 =	vld [tilespmem:s14+$0x1C460];
	s14 =	simm.s32 @!p0 $0xA  }
0x111: {  	_ =	swait.ge @!p0 [sflag:s14], $0x80  }
0x112: {  	v5 =	vadd.f32 v6, v5;
	[sflag:s14] =	ssyncset.done @!p0 $0x0;
	v62 =	vadd.f32 v14, v10  }
0x113: {  	v4 =	vadd.f32 v7, v4;
	v63 =	vadd.f32 v15, v11;
	[sflag:s14] =	ssyncadd.s32 @!p0 $0xFFFFFF80  }
0x114: {  	v3 =	vadd.f32 v8, v3;
	v5 =	vadd.f32 v16, v5;
	[tilespmem:$0x1E080] =	vst v62  }
0x115: {  	v2 =	vadd.f32 v9, v2;
	v4 =	vadd.f32 v17, v4;
	[tilespmem:$0x1E090] =	vst v63  }
0x116: {  	s12 =	sadd.s32 $0x1, s12;
	v3 =	vadd.f32 v18, v3;
	[tilespmem:$0x1E0A0] =	vst v5  }
0x117: {  	v1 =	vadd.f32 v12, v1;
	v2 =	vadd.f32 v19, v2;
	p0 =	sne.s32 s12, $0x40;
	[tilespmem:$0x1E0B0] =	vst v4  }
.Ltmp8:
0x118: {  	v0 =	vadd.f32 v13, v0;
	[tilespmem:$0x1E0C0] =	vst v3;
	(pc) =	sbr.rel @p0 .LBB2_2-.Ltmp8, $4  }
0x119: {  	v1 =	vadd.f32 v20, v1;
	[tilespmem:$0x1E0D0] =	vst v2  }
0x11a: {  	s13 =	sshll.u32 s13, $0x4;
	[tilespmem:$0x1E0F0] =	vst v0  }
0x11b: {  	s13 =	sadd.s32 s13, s5;
	[tilespmem:$0x1E0E0] =	vst v1  }
0x11c: {  	[hbm4b:s13+s3] =	stream.linear.scatter [tilespmem:s2], [sflag:$0xA], $0x80, $0x38;
	[tilespmem:$0x1E100] =	vst v63  }
0x11d: {  	s11 =	sadd.s32 $0x1, s11  }
0x11e: {  	_ =	swait.ge [sflag:s9], $0x80;
	p0 =	sne.s32 s11, s6  }
.Ltmp9:
0x11f: {  	[sflag:s9] =	ssyncset.done $0x0;
	(pc) =	sbr.rel @p0 .LBB2_1-.Ltmp9, $4  }
0x120: {  	[sflag:s9] =	ssyncadd.s32 $0xFFFFFF80  }
0x121: {  	_ =	swait.ge [sflag:s10], $0x80  }
0x122: {  	[sflag:s10] =	ssyncset.done $0x0  }
0x123: {  	[sflag:s10] =	ssyncadd.s32 $0xFFFFFF80  }
0x124: {  	_ =	sfence.sel $0x180000  }
0x125: {  	[bflag:$0x0] =	sbarrier.arrive $0xFFFF  }
0x126: {  	_ =	strace $0x90000047  }
0x127: {  	s0 =	stileid.u32;
	[bflag:$0x2] =	sbarrier.arrive $0xFFFF  }
0x128: {  	p0 =	sne.s32 s0, $0x0;
	s0 =	rddreg [dreg:$0x3]  }
0x129: {  	s0 =	sadd.s32 @!p0 $0x100000, s0  }
0x12a: {  	[sflag:s0] =	ssyncadd.tile.s32 @!p0 $0x1;
	_ =	shalt  }
.Lfunc_end2:
_tile_overlayer_lowered:
.L_overlay_start_2:
0x12b: {  	(tag) =	ssettag $0x2  }
0x12c: {  	s0 =	rddreg [dreg:$0x0];
	s2 =	stileid.u32  }
0x12d: {  	s1 =	rddreg [dreg:$0x1];
	p0 =	sne.s32 s2, $0x0  }
0x12e: {  	s3 =	rddreg [dreg:$0x2];
	[bflag:$0x3] =	sbarrier.arrive $0xFFFF;
	s2 =	simm.s32 @!p0 $0x1C0B  }
0x12f: {  	[timem:s3], [sflag:s2] =	dma.local @!p0 [hbm:s0], s1  }
0x130: {  	s0 =	simm.s32 @!p0 $0xB  }
0x131: {  	_ =	swait.ge @!p0 [sflag:s0], s1  }
0x132: {  	s1 =	ssub.s32 @!p0 $0x0, s1;
	[sflag:s0] =	ssyncset.done @!p0 $0x0  }
0x133: {  	[sflag:s0] =	ssyncadd.s32 @!p0 s1  }
0x134: {  	[bflag:$0x3] =	sbarrier.arrive $0xFFFF  }
0x135: {  	_ =	shalt  }

</sc_bundles>
